<compile_context>
chip_gen: v7x
topology: tpu7x:2x2x1
jax: 0.10.2.dev20260603
libtpu: 0.0.44.dev20260713+nightly
codegen_flags: <defaults>
</compile_context>

<pallas_src>
import functools

import jax
import jax.numpy as jnp
from jax import lax
from jax.experimental import pallas as pl
from jax.experimental.pallas import tpu as pltpu
from jax.experimental.pallas import tpu_sc as plsc

N_CAT = 1000
BATCH = 16384
NUM_CORES = 2
NUM_SUBCORES = 16
LANES = 16
NUM_WORKERS = NUM_CORES * NUM_SUBCORES
ROWS_PER_W = BATCH // NUM_WORKERS
CHUNK_ROWS = 32
CHUNK_WORDS = CHUNK_ROWS * N_CAT
NUM_CHUNKS = ROWS_PER_W // CHUNK_ROWS

_mesh = plsc.VectorSubcoreMesh(core_axis_name="c", subcore_axis_name="s")


@functools.partial(
    pl.kernel,
    out_type=jax.ShapeDtypeStruct((BATCH * N_CAT,), jnp.float32),
    mesh=_mesh,
    compiler_params=pltpu.CompilerParams(needs_layout_passes=False),
    scratch_types=[
        pltpu.VMEM((ROWS_PER_W,), jnp.int32),
        pltpu.VMEM((CHUNK_WORDS,), jnp.float32),
        pltpu.VMEM((CHUNK_WORDS,), jnp.float32),
        pltpu.SemaphoreType.DMA,
        pltpu.SemaphoreType.DMA,
    ],
)
def _onehot_sc(x_hbm, out_hbm, idx_v, buf_a, buf_b, sem_a, sem_b):
    wid = lax.axis_index("s") * NUM_CORES + lax.axis_index("c")
    base_row = wid * ROWS_PER_W

    pltpu.sync_copy(x_hbm.at[pl.ds(base_row * 1, ROWS_PER_W)], idx_v)

    zeros = jnp.zeros((LANES,), jnp.float32)
    ones = jnp.ones((LANES,), jnp.float32)
    lane_off = lax.iota(jnp.int32, LANES) * N_CAT

    def _zero(i, _):
        buf_a[pl.ds(i * LANES, LANES)] = zeros
        buf_b[pl.ds(i * LANES, LANES)] = zeros
        return 0

    lax.fori_loop(0, CHUNK_WORDS // LANES, _zero, 0, unroll=8)

    bufs = (buf_a, buf_b)
    sems = (sem_a, sem_b)

    def chunk_flat_indices(g):
        flats = []
        for t in range(CHUNK_ROWS // LANES):
            xv = idx_v[pl.ds(g * CHUNK_ROWS + t * LANES, LANES)]
            flats.append(lane_off + (t * LANES * N_CAT) + xv)
        return flats

    inflight = [None, None]
    for g in range(NUM_CHUNKS):
        b = g % 2
        buf = bufs[b]
        if inflight[b] is not None:
            copy, old_flats = inflight[b]
            copy.wait()
            for fv in old_flats:
                plsc.store_scatter(buf, [fv], zeros)
        flats = chunk_flat_indices(g)
        for fv in flats:
            plsc.store_scatter(buf, [fv], ones)
        dst = out_hbm.at[pl.ds((base_row + g * CHUNK_ROWS) * N_CAT, CHUNK_WORDS)]
        copy = pltpu.async_copy(buf, dst, sems[b])
        inflight[b] = (copy, flats)

    for b in range(2):
        if inflight[b] is not None:
            inflight[b][0].wait()


def kernel(x):
    out_flat = _onehot_sc(x.astype(jnp.int32))
    return out_flat.reshape(BATCH, N_CAT)

# --- scband reference (transcript-rebuilt; emitter-appended) ---
"""Pipeline reference for scband-one-hot-encoder-9646496546850 (READ-ONLY COPY).

The authoritative reference and input builder live on the scoring server;
editing this copy changes nothing except your own understanding.
"""

import jax, jax.numpy as jnp
import numpy as np

N_CATEGORIES = 1000

def setup_inputs(seed: int = 0) -> dict:
    key = jax.random.key(seed)
    x = jax.random.randint(key, (16384,), 0, N_CATEGORIES, dtype=jnp.int64 if jax.config.read('jax_enable_x64') else jnp.int32)
    return {"x": x}

def reference(x) -> jnp.ndarray:
    # Faithful translation of torch.nn.functional.one_hot(x, num_classes=N).float()
    x = x.astype(jnp.int32)
    out = (x[:, None] == jnp.arange(N_CATEGORIES, dtype=jnp.int32)[None, :]).astype(jnp.float32)
    return out

if __name__ == "__main__":
    import jax
    _d = setup_inputs()
    print(jax.jit(kernel)(*tuple(_d.values())))

</pallas_src>

<mosaic_0001>
#map = affine_map<(d0, d1) -> (0)>
module attributes {stable_mosaic.version = 14 : i64} {
  func.func @_onehot_sc(%arg0: i32, %arg1: i32, %arg2: memref<16384xi32, #tpu.memory_space<hbm>>, %arg3: memref<16384000xf32, #tpu.memory_space<hbm>>, %arg4: memref<512xi32, #tpu.memory_space<vmem>>, %arg5: memref<32000xf32, #tpu.memory_space<vmem>>, %arg6: memref<32000xf32, #tpu.memory_space<vmem>>, %arg7: memref<!tpu.dma_semaphore, #tpu.memory_space<semaphore_mem>>, %arg8: memref<!tpu.dma_semaphore, #tpu.memory_space<semaphore_mem>>) attributes {dimension_semantics = [#tpu.dimension_semantics<core_parallel>, #tpu.dimension_semantics<subcore_parallel>], iteration_bounds = array<i64: 2, 16>, scalar_prefetch = 0 : i64, scratch_operands = 5 : i64, tpu.core_type = #tpu.core_type<sc_vector_subcore>, window_params = [{transform_indices = #map}, {transform_indices = #map}]} {
    %mul3A = arith.constant 2 : i32
    %mul3A_0 = arith.muli %arg1, %mul3A : i32
    %add3A = arith.addi %mul3A_0, %arg0 : i32
    %mul3A_1 = arith.constant 512 : i32
    %mul3A_2 = arith.muli %add3A, %mul3A_1 : i32
    %mul3A_3 = arith.constant 1 : i32
    %mul3A_4 = arith.muli %mul3A_2, %mul3A_3 : i32
    "tpu.region"() ({
      %run_scoped3A = tpu.sem_alloc : memref<!tpu.dma_semaphore, #tpu.memory_space<semaphore_mem>>
      %dma_start3A_334 = tpu.memref_slice %arg2[%mul3A_4] : memref<16384xi32, #tpu.memory_space<hbm>> -> memref<512xi32, #tpu.memory_space<hbm>>
      %dma_start3A_335 = tpu.memref_slice %arg2[%mul3A_4] : memref<16384xi32, #tpu.memory_space<hbm>> -> memref<512xi32, #tpu.memory_space<hbm>>
      tpu.enqueue_dma source(%dma_start3A_335 : memref<512xi32, #tpu.memory_space<hbm>>) target(%arg4 : memref<512xi32, #tpu.memory_space<vmem>>) target_semaphore(%run_scoped3A : memref<!tpu.dma_semaphore, #tpu.memory_space<semaphore_mem>>)
      %dma_wait3A_336 = tpu.memref_slice %arg2[%mul3A_4] : memref<16384xi32, #tpu.memory_space<hbm>> -> memref<512xi32, #tpu.memory_space<hbm>>
      %dma_wait3A_337 = tpu.memref_slice %arg2[%mul3A_4] : memref<16384xi32, #tpu.memory_space<hbm>> -> memref<512xi32, #tpu.memory_space<hbm>>
      tpu.wait_dma2 semaphore(%run_scoped3A : memref<!tpu.dma_semaphore, #tpu.memory_space<semaphore_mem>>) src(%dma_wait3A_337 : memref<512xi32, #tpu.memory_space<hbm>>) dst(%arg4 : memref<512xi32, #tpu.memory_space<vmem>>)
      tpu.yield
    }) : () -> ()
    %broadcast_in_dim3A = arith.constant 0.000000e+00 : f32
    %broadcast_in_dim3A_5 = vector.broadcast %broadcast_in_dim3A : f32 to vector<16xf32>
    %broadcast_in_dim3A_6 = arith.constant 1.000000e+00 : f32
    %broadcast_in_dim3A_7 = vector.broadcast %broadcast_in_dim3A_6 : f32 to vector<16xf32>
    %iota3A = tpu.iota {dimensions = array<i32: 0>} : vector<16xi32>
    %mul3A_8 = arith.constant 1000 : i32
    %mul3A_9 = vector.broadcast %mul3A_8 : i32 to vector<16xi32>
    %mul3A_10 = arith.muli %iota3A, %mul3A_9 : vector<16xi32>
    %scan3A = arith.constant 0 : i32
    %scan3A_11 = arith.constant 0 : i32
    %scan3A_12 = arith.constant 2000 : i32
    %scan3A_13 = arith.addi %scan3A_11, %scan3A_12 : i32
    %scan3A_14 = arith.constant 8 : i32
    %scan3A_15 = scf.for %scan3A_334 = %scan3A_11 to %scan3A_13 step %scan3A_14 iter_args(%scan3A_335 = %scan3A) -> (i32)  : i32 {
      %mul3A_336 = arith.constant 16 : i32
      %mul3A_337 = arith.muli %scan3A_334, %mul3A_336 : i32
      %swap3A = arith.index_cast %mul3A_337 : i32 to index
      %swap3A_338 = tpu.vector_load %arg5[%swap3A] {strides = array<i32>} : memref<32000xf32, #tpu.memory_space<vmem>>, vector<16xf32>,
      tpu.vector_store %arg5[%swap3A], %broadcast_in_dim3A_5 {strides = array<i32>} : memref<32000xf32, #tpu.memory_space<vmem>>, vector<16xf32>,
      %mul3A_339 = arith.constant 16 : i32
      %mul3A_340 = arith.muli %scan3A_334, %mul3A_339 : i32
      %swap3A_341 = arith.index_cast %mul3A_340 : i32 to index
      %swap3A_342 = tpu.vector_load %arg6[%swap3A_341] {strides = array<i32>} : memref<32000xf32, #tpu.memory_space<vmem>>, vector<16xf32>,
      tpu.vector_store %arg6[%swap3A_341], %broadcast_in_dim3A_5 {strides = array<i32>} : memref<32000xf32, #tpu.memory_space<vmem>>, vector<16xf32>,
      %scan3A_343 = arith.constant 0 : i32
      %scan3A_344 = arith.constant 1 : i32
      %scan3A_345 = arith.addi %scan3A_334, %scan3A_344 : i32
      %mul3A_346 = arith.constant 16 : i32
      %mul3A_347 = arith.muli %scan3A_345, %mul3A_346 : i32
      %swap3A_348 = arith.index_cast %mul3A_347 : i32 to index
      %swap3A_349 = tpu.vector_load %arg5[%swap3A_348] {strides = array<i32>} : memref<32000xf32, #tpu.memory_space<vmem>>, vector<16xf32>,
      tpu.vector_store %arg5[%swap3A_348], %broadcast_in_dim3A_5 {strides = array<i32>} : memref<32000xf32, #tpu.memory_space<vmem>>, vector<16xf32>,
      %mul3A_350 = arith.constant 16 : i32
      %mul3A_351 = arith.muli %scan3A_345, %mul3A_350 : i32
      %swap3A_352 = arith.index_cast %mul3A_351 : i32 to index
      %swap3A_353 = tpu.vector_load %arg6[%swap3A_352] {strides = array<i32>} : memref<32000xf32, #tpu.memory_space<vmem>>, vector<16xf32>,
      tpu.vector_store %arg6[%swap3A_352], %broadcast_in_dim3A_5 {strides = array<i32>} : memref<32000xf32, #tpu.memory_space<vmem>>, vector<16xf32>,
      %scan3A_354 = arith.constant 0 : i32
      %scan3A_355 = arith.constant 2 : i32
      %scan3A_356 = arith.addi %scan3A_334, %scan3A_355 : i32
      %mul3A_357 = arith.constant 16 : i32
      %mul3A_358 = arith.muli %scan3A_356, %mul3A_357 : i32
      %swap3A_359 = arith.index_cast %mul3A_358 : i32 to index
      %swap3A_360 = tpu.vector_load %arg5[%swap3A_359] {strides = array<i32>} : memref<32000xf32, #tpu.memory_space<vmem>>, vector<16xf32>,
      tpu.vector_store %arg5[%swap3A_359], %broadcast_in_dim3A_5 {strides = array<i32>} : memref<32000xf32, #tpu.memory_space<vmem>>, vector<16xf32>,
      %mul3A_361 = arith.constant 16 : i32
      %mul3A_362 = arith.muli %scan3A_356, %mul3A_361 : i32
      %swap3A_363 = arith.index_cast %mul3A_362 : i32 to index
      %swap3A_364 = tpu.vector_load %arg6[%swap3A_363] {strides = array<i32>} : memref<32000xf32, #tpu.memory_space<vmem>>, vector<16xf32>,
      tpu.vector_store %arg6[%swap3A_363], %broadcast_in_dim3A_5 {strides = array<i32>} : memref<32000xf32, #tpu.memory_space<vmem>>, vector<16xf32>,
      %scan3A_365 = arith.constant 0 : i32
      %scan3A_366 = arith.constant 3 : i32
      %scan3A_367 = arith.addi %scan3A_334, %scan3A_366 : i32
      %mul3A_368 = arith.constant 16 : i32
      %mul3A_369 = arith.muli %scan3A_367, %mul3A_368 : i32
      %swap3A_370 = arith.index_cast %mul3A_369 : i32 to index
      %swap3A_371 = tpu.vector_load %arg5[%swap3A_370] {strides = array<i32>} : memref<32000xf32, #tpu.memory_space<vmem>>, vector<16xf32>,
      tpu.vector_store %arg5[%swap3A_370], %broadcast_in_dim3A_5 {strides = array<i32>} : memref<32000xf32, #tpu.memory_space<vmem>>, vector<16xf32>,
      %mul3A_372 = arith.constant 16 : i32
      %mul3A_373 = arith.muli %scan3A_367, %mul3A_372 : i32
      %swap3A_374 = arith.index_cast %mul3A_373 : i32 to index
      %swap3A_375 = tpu.vector_load %arg6[%swap3A_374] {strides = array<i32>} : memref<32000xf32, #tpu.memory_space<vmem>>, vector<16xf32>,
      tpu.vector_store %arg6[%swap3A_374], %broadcast_in_dim3A_5 {strides = array<i32>} : memref<32000xf32, #tpu.memory_space<vmem>>, vector<16xf32>,
      %scan3A_376 = arith.constant 0 : i32
      %scan3A_377 = arith.constant 4 : i32
      %scan3A_378 = arith.addi %scan3A_334, %scan3A_377 : i32
      %mul3A_379 = arith.constant 16 : i32
      %mul3A_380 = arith.muli %scan3A_378, %mul3A_379 : i32
      %swap3A_381 = arith.index_cast %mul3A_380 : i32 to index
      %swap3A_382 = tpu.vector_load %arg5[%swap3A_381] {strides = array<i32>} : memref<32000xf32, #tpu.memory_space<vmem>>, vector<16xf32>,
      tpu.vector_store %arg5[%swap3A_381], %broadcast_in_dim3A_5 {strides = array<i32>} : memref<32000xf32, #tpu.memory_space<vmem>>, vector<16xf32>,
      %mul3A_383 = arith.constant 16 : i32
      %mul3A_384 = arith.muli %scan3A_378, %mul3A_383 : i32
      %swap3A_385 = arith.index_cast %mul3A_384 : i32 to index
      %swap3A_386 = tpu.vector_load %arg6[%swap3A_385] {strides = array<i32>} : memref<32000xf32, #tpu.memory_space<vmem>>, vector<16xf32>,
      tpu.vector_store %arg6[%swap3A_385], %broadcast_in_dim3A_5 {strides = array<i32>} : memref<32000xf32, #tpu.memory_space<vmem>>, vector<16xf32>,
      %scan3A_387 = arith.constant 0 : i32
      %scan3A_388 = arith.constant 5 : i32
      %scan3A_389 = arith.addi %scan3A_334, %scan3A_388 : i32
      %mul3A_390 = arith.constant 16 : i32
      %mul3A_391 = arith.muli %scan3A_389, %mul3A_390 : i32
      %swap3A_392 = arith.index_cast %mul3A_391 : i32 to index
      %swap3A_393 = tpu.vector_load %arg5[%swap3A_392] {strides = array<i32>} : memref<32000xf32, #tpu.memory_space<vmem>>, vector<16xf32>,
      tpu.vector_store %arg5[%swap3A_392], %broadcast_in_dim3A_5 {strides = array<i32>} : memref<32000xf32, #tpu.memory_space<vmem>>, vector<16xf32>,
      %mul3A_394 = arith.constant 16 : i32
      %mul3A_395 = arith.muli %scan3A_389, %mul3A_394 : i32
      %swap3A_396 = arith.index_cast %mul3A_395 : i32 to index
      %swap3A_397 = tpu.vector_load %arg6[%swap3A_396] {strides = array<i32>} : memref<32000xf32, #tpu.memory_space<vmem>>, vector<16xf32>,
      tpu.vector_store %arg6[%swap3A_396], %broadcast_in_dim3A_5 {strides = array<i32>} : memref<32000xf32, #tpu.memory_space<vmem>>, vector<16xf32>,
      %scan3A_398 = arith.constant 0 : i32
      %scan3A_399 = arith.constant 6 : i32
      %scan3A_400 = arith.addi %scan3A_334, %scan3A_399 : i32
      %mul3A_401 = arith.constant 16 : i32
      %mul3A_402 = arith.muli %scan3A_400, %mul3A_401 : i32
      %swap3A_403 = arith.index_cast %mul3A_402 : i32 to index
      %swap3A_404 = tpu.vector_load %arg5[%swap3A_403] {strides = array<i32>} : memref<32000xf32, #tpu.memory_space<vmem>>, vector<16xf32>,
      tpu.vector_store %arg5[%swap3A_403], %broadcast_in_dim3A_5 {strides = array<i32>} : memref<32000xf32, #tpu.memory_space<vmem>>, vector<16xf32>,
      %mul3A_405 = arith.constant 16 : i32
      %mul3A_406 = arith.muli %scan3A_400, %mul3A_405 : i32
      %swap3A_407 = arith.index_cast %mul3A_406 : i32 to index
      %swap3A_408 = tpu.vector_load %arg6[%swap3A_407] {strides = array<i32>} : memref<32000xf32, #tpu.memory_space<vmem>>, vector<16xf32>,
      tpu.vector_store %arg6[%swap3A_407], %broadcast_in_dim3A_5 {strides = array<i32>} : memref<32000xf32, #tpu.memory_space<vmem>>, vector<16xf32>,
      %scan3A_409 = arith.constant 0 : i32
      %scan3A_410 = arith.constant 7 : i32
      %scan3A_411 = arith.addi %scan3A_334, %scan3A_410 : i32
      %mul3A_412 = arith.constant 16 : i32
      %mul3A_413 = arith.muli %scan3A_411, %mul3A_412 : i32
      %swap3A_414 = arith.index_cast %mul3A_413 : i32 to index
      %swap3A_415 = tpu.vector_load %arg5[%swap3A_414] {strides = array<i32>} : memref<32000xf32, #tpu.memory_space<vmem>>, vector<16xf32>,
      tpu.vector_store %arg5[%swap3A_414], %broadcast_in_dim3A_5 {strides = array<i32>} : memref<32000xf32, #tpu.memory_space<vmem>>, vector<16xf32>,
      %mul3A_416 = arith.constant 16 : i32
      %mul3A_417 = arith.muli %scan3A_411, %mul3A_416 : i32
      %swap3A_418 = arith.index_cast %mul3A_417 : i32 to index
      %swap3A_419 = tpu.vector_load %arg6[%swap3A_418] {strides = array<i32>} : memref<32000xf32, #tpu.memory_space<vmem>>, vector<16xf32>,
      tpu.vector_store %arg6[%swap3A_418], %broadcast_in_dim3A_5 {strides = array<i32>} : memref<32000xf32, #tpu.memory_space<vmem>>, vector<16xf32>,
      %scan3A_420 = arith.constant 0 : i32
      scf.yield %scan3A_420 : i32
    }
    %scan3A_16 = arith.constant 2000 : i32
    %get3A = arith.constant 0 : index
    %get3A_17 = tpu.vector_load %arg4[%get3A] {strides = array<i32>} : memref<512xi32, #tpu.memory_space<vmem>>, vector<16xi32>,
    %add3A_18 = arith.constant 0 : i32
    %add3A_19 = vector.broadcast %add3A_18 : i32 to vector<16xi32>
    %add3A_20 = arith.addi %mul3A_10, %add3A_19 : vector<16xi32>
    %add3A_21 = arith.addi %add3A_20, %get3A_17 : vector<16xi32>
    %get3A_22 = arith.constant 16 : index
    %get3A_23 = tpu.vector_load %arg4[%get3A_22] {strides = array<i32>} : memref<512xi32, #tpu.memory_space<vmem>>, vector<16xi32>,
    %add3A_24 = arith.constant 16000 : i32
    %add3A_25 = vector.broadcast %add3A_24 : i32 to vector<16xi32>
    %add3A_26 = arith.addi %mul3A_10, %add3A_25 : vector<16xi32>
    %add3A_27 = arith.addi %add3A_26, %get3A_23 : vector<16xi32>
    tpu.vector_store_idx %arg5[%add3A_21], %broadcast_in_dim3A_7 : memref<32000xf32, #tpu.memory_space<vmem>>[vector<16xi32>], vector<16xf32>,
    tpu.vector_store_idx %arg5[%add3A_27], %broadcast_in_dim3A_7 : memref<32000xf32, #tpu.memory_space<vmem>>[vector<16xi32>], vector<16xf32>,
    %add3A_28 = arith.constant 0 : i32
    %add3A_29 = arith.addi %mul3A_2, %add3A_28 : i32
    %mul3A_30 = arith.constant 1000 : i32
    %mul3A_31 = arith.muli %add3A_29, %mul3A_30 : i32
    %dma_start3A = tpu.memref_slice %arg3[%mul3A_31] : memref<16384000xf32, #tpu.memory_space<hbm>> -> memref<32000xf32, #tpu.memory_space<hbm>>
    %dma_start3A_32 = tpu.memref_slice %arg3[%mul3A_31] : memref<16384000xf32, #tpu.memory_space<hbm>> -> memref<32000xf32, #tpu.memory_space<hbm>>
    tpu.enqueue_dma source(%arg5 : memref<32000xf32, #tpu.memory_space<vmem>>) target(%dma_start3A_32 : memref<32000xf32, #tpu.memory_space<hbm>>) target_semaphore(%arg7 : memref<!tpu.dma_semaphore, #tpu.memory_space<semaphore_mem>>)
    %get3A_33 = arith.constant 32 : index
    %get3A_34 = tpu.vector_load %arg4[%get3A_33] {strides = array<i32>} : memref<512xi32, #tpu.memory_space<vmem>>, vector<16xi32>,
    %add3A_35 = arith.constant 0 : i32
    %add3A_36 = vector.broadcast %add3A_35 : i32 to vector<16xi32>
    %add3A_37 = arith.addi %mul3A_10, %add3A_36 : vector<16xi32>
    %add3A_38 = arith.addi %add3A_37, %get3A_34 : vector<16xi32>
    %get3A_39 = arith.constant 48 : index
    %get3A_40 = tpu.vector_load %arg4[%get3A_39] {strides = array<i32>} : memref<512xi32, #tpu.memory_space<vmem>>, vector<16xi32>,
    %add3A_41 = arith.constant 16000 : i32
    %add3A_42 = vector.broadcast %add3A_41 : i32 to vector<16xi32>
    %add3A_43 = arith.addi %mul3A_10, %add3A_42 : vector<16xi32>
    %add3A_44 = arith.addi %add3A_43, %get3A_40 : vector<16xi32>
    tpu.vector_store_idx %arg6[%add3A_38], %broadcast_in_dim3A_7 : memref<32000xf32, #tpu.memory_space<vmem>>[vector<16xi32>], vector<16xf32>,
    tpu.vector_store_idx %arg6[%add3A_44], %broadcast_in_dim3A_7 : memref<32000xf32, #tpu.memory_space<vmem>>[vector<16xi32>], vector<16xf32>,
    %add3A_45 = arith.constant 32 : i32
    %add3A_46 = arith.addi %mul3A_2, %add3A_45 : i32
    %mul3A_47 = arith.constant 1000 : i32
    %mul3A_48 = arith.muli %add3A_46, %mul3A_47 : i32
    %dma_start3A_49 = tpu.memref_slice %arg3[%mul3A_48] : memref<16384000xf32, #tpu.memory_space<hbm>> -> memref<32000xf32, #tpu.memory_space<hbm>>
    %dma_start3A_50 = tpu.memref_slice %arg3[%mul3A_48] : memref<16384000xf32, #tpu.memory_space<hbm>> -> memref<32000xf32, #tpu.memory_space<hbm>>
    tpu.enqueue_dma source(%arg6 : memref<32000xf32, #tpu.memory_space<vmem>>) target(%dma_start3A_50 : memref<32000xf32, #tpu.memory_space<hbm>>) target_semaphore(%arg8 : memref<!tpu.dma_semaphore, #tpu.memory_space<semaphore_mem>>)
    %dma_wait3A = tpu.memref_slice %arg3[%mul3A_31] : memref<16384000xf32, #tpu.memory_space<hbm>> -> memref<32000xf32, #tpu.memory_space<hbm>>
    %dma_wait3A_51 = tpu.memref_slice %arg3[%mul3A_31] : memref<16384000xf32, #tpu.memory_space<hbm>> -> memref<32000xf32, #tpu.memory_space<hbm>>
    tpu.wait_dma2 semaphore(%arg7 : memref<!tpu.dma_semaphore, #tpu.memory_space<semaphore_mem>>) src(%arg5 : memref<32000xf32, #tpu.memory_space<vmem>>) dst(%dma_wait3A_51 : memref<32000xf32, #tpu.memory_space<hbm>>)
    tpu.vector_store_idx %arg5[%add3A_21], %broadcast_in_dim3A_5 : memref<32000xf32, #tpu.memory_space<vmem>>[vector<16xi32>], vector<16xf32>,
    tpu.vector_store_idx %arg5[%add3A_27], %broadcast_in_dim3A_5 : memref<32000xf32, #tpu.memory_space<vmem>>[vector<16xi32>], vector<16xf32>,
    %get3A_52 = arith.constant 64 : index
    %get3A_53 = tpu.vector_load %arg4[%get3A_52] {strides = array<i32>} : memref<512xi32, #tpu.memory_space<vmem>>, vector<16xi32>,
    %add3A_54 = arith.constant 0 : i32
    %add3A_55 = vector.broadcast %add3A_54 : i32 to vector<16xi32>
    %add3A_56 = arith.addi %mul3A_10, %add3A_55 : vector<16xi32>
    %add3A_57 = arith.addi %add3A_56, %get3A_53 : vector<16xi32>
    %get3A_58 = arith.constant 80 : index
    %get3A_59 = tpu.vector_load %arg4[%get3A_58] {strides = array<i32>} : memref<512xi32, #tpu.memory_space<vmem>>, vector<16xi32>,
    %add3A_60 = arith.constant 16000 : i32
    %add3A_61 = vector.broadcast %add3A_60 : i32 to vector<16xi32>
    %add3A_62 = arith.addi %mul3A_10, %add3A_61 : vector<16xi32>
    %add3A_63 = arith.addi %add3A_62, %get3A_59 : vector<16xi32>
    tpu.vector_store_idx %arg5[%add3A_57], %broadcast_in_dim3A_7 : memref<32000xf32, #tpu.memory_space<vmem>>[vector<16xi32>], vector<16xf32>,
    tpu.vector_store_idx %arg5[%add3A_63], %broadcast_in_dim3A_7 : memref<32000xf32, #tpu.memory_space<vmem>>[vector<16xi32>], vector<16xf32>,
    %add3A_64 = arith.constant 64 : i32
    %add3A_65 = arith.addi %mul3A_2, %add3A_64 : i32
    %mul3A_66 = arith.constant 1000 : i32
    %mul3A_67 = arith.muli %add3A_65, %mul3A_66 : i32
    %dma_start3A_68 = tpu.memref_slice %arg3[%mul3A_67] : memref<16384000xf32, #tpu.memory_space<hbm>> -> memref<32000xf32, #tpu.memory_space<hbm>>
    %dma_start3A_69 = tpu.memref_slice %arg3[%mul3A_67] : memref<16384000xf32, #tpu.memory_space<hbm>> -> memref<32000xf32, #tpu.memory_space<hbm>>
    tpu.enqueue_dma source(%arg5 : memref<32000xf32, #tpu.memory_space<vmem>>) target(%dma_start3A_69 : memref<32000xf32, #tpu.memory_space<hbm>>) target_semaphore(%arg7 : memref<!tpu.dma_semaphore, #tpu.memory_space<semaphore_mem>>)
    %dma_wait3A_70 = tpu.memref_slice %arg3[%mul3A_48] : memref<16384000xf32, #tpu.memory_space<hbm>> -> memref<32000xf32, #tpu.memory_space<hbm>>
    %dma_wait3A_71 = tpu.memref_slice %arg3[%mul3A_48] : memref<16384000xf32, #tpu.memory_space<hbm>> -> memref<32000xf32, #tpu.memory_space<hbm>>
    tpu.wait_dma2 semaphore(%arg8 : memref<!tpu.dma_semaphore, #tpu.memory_space<semaphore_mem>>) src(%arg6 : memref<32000xf32, #tpu.memory_space<vmem>>) dst(%dma_wait3A_71 : memref<32000xf32, #tpu.memory_space<hbm>>)
    tpu.vector_store_idx %arg6[%add3A_38], %broadcast_in_dim3A_5 : memref<32000xf32, #tpu.memory_space<vmem>>[vector<16xi32>], vector<16xf32>,
    tpu.vector_store_idx %arg6[%add3A_44], %broadcast_in_dim3A_5 : memref<32000xf32, #tpu.memory_space<vmem>>[vector<16xi32>], vector<16xf32>,
    %get3A_72 = arith.constant 96 : index
    %get3A_73 = tpu.vector_load %arg4[%get3A_72] {strides = array<i32>} : memref<512xi32, #tpu.memory_space<vmem>>, vector<16xi32>,
    %add3A_74 = arith.constant 0 : i32
    %add3A_75 = vector.broadcast %add3A_74 : i32 to vector<16xi32>
    %add3A_76 = arith.addi %mul3A_10, %add3A_75 : vector<16xi32>
    %add3A_77 = arith.addi %add3A_76, %get3A_73 : vector<16xi32>
    %get3A_78 = arith.constant 112 : index
    %get3A_79 = tpu.vector_load %arg4[%get3A_78] {strides = array<i32>} : memref<512xi32, #tpu.memory_space<vmem>>, vector<16xi32>,
    %add3A_80 = arith.constant 16000 : i32
    %add3A_81 = vector.broadcast %add3A_80 : i32 to vector<16xi32>
    %add3A_82 = arith.addi %mul3A_10, %add3A_81 : vector<16xi32>
    %add3A_83 = arith.addi %add3A_82, %get3A_79 : vector<16xi32>
    tpu.vector_store_idx %arg6[%add3A_77], %broadcast_in_dim3A_7 : memref<32000xf32, #tpu.memory_space<vmem>>[vector<16xi32>], vector<16xf32>,
    tpu.vector_store_idx %arg6[%add3A_83], %broadcast_in_dim3A_7 : memref<32000xf32, #tpu.memory_space<vmem>>[vector<16xi32>], vector<16xf32>,
    %add3A_84 = arith.constant 96 : i32
    %add3A_85 = arith.addi %mul3A_2, %add3A_84 : i32
    %mul3A_86 = arith.constant 1000 : i32
    %mul3A_87 = arith.muli %add3A_85, %mul3A_86 : i32
    %dma_start3A_88 = tpu.memref_slice %arg3[%mul3A_87] : memref<16384000xf32, #tpu.memory_space<hbm>> -> memref<32000xf32, #tpu.memory_space<hbm>>
    %dma_start3A_89 = tpu.memref_slice %arg3[%mul3A_87] : memref<16384000xf32, #tpu.memory_space<hbm>> -> memref<32000xf32, #tpu.memory_space<hbm>>
    tpu.enqueue_dma source(%arg6 : memref<32000xf32, #tpu.memory_space<vmem>>) target(%dma_start3A_89 : memref<32000xf32, #tpu.memory_space<hbm>>) target_semaphore(%arg8 : memref<!tpu.dma_semaphore, #tpu.memory_space<semaphore_mem>>)
    %dma_wait3A_90 = tpu.memref_slice %arg3[%mul3A_67] : memref<16384000xf32, #tpu.memory_space<hbm>> -> memref<32000xf32, #tpu.memory_space<hbm>>
    %dma_wait3A_91 = tpu.memref_slice %arg3[%mul3A_67] : memref<16384000xf32, #tpu.memory_space<hbm>> -> memref<32000xf32, #tpu.memory_space<hbm>>
    tpu.wait_dma2 semaphore(%arg7 : memref<!tpu.dma_semaphore, #tpu.memory_space<semaphore_mem>>) src(%arg5 : memref<32000xf32, #tpu.memory_space<vmem>>) dst(%dma_wait3A_91 : memref<32000xf32, #tpu.memory_space<hbm>>)
    tpu.vector_store_idx %arg5[%add3A_57], %broadcast_in_dim3A_5 : memref<32000xf32, #tpu.memory_space<vmem>>[vector<16xi32>], vector<16xf32>,
    tpu.vector_store_idx %arg5[%add3A_63], %broadcast_in_dim3A_5 : memref<32000xf32, #tpu.memory_space<vmem>>[vector<16xi32>], vector<16xf32>,
    %get3A_92 = arith.constant 128 : index
    %get3A_93 = tpu.vector_load %arg4[%get3A_92] {strides = array<i32>} : memref<512xi32, #tpu.memory_space<vmem>>, vector<16xi32>,
    %add3A_94 = arith.constant 0 : i32
    %add3A_95 = vector.broadcast %add3A_94 : i32 to vector<16xi32>
    %add3A_96 = arith.addi %mul3A_10, %add3A_95 : vector<16xi32>
    %add3A_97 = arith.addi %add3A_96, %get3A_93 : vector<16xi32>
    %get3A_98 = arith.constant 144 : index
    %get3A_99 = tpu.vector_load %arg4[%get3A_98] {strides = array<i32>} : memref<512xi32, #tpu.memory_space<vmem>>, vector<16xi32>,
    %add3A_100 = arith.constant 16000 : i32
    %add3A_101 = vector.broadcast %add3A_100 : i32 to vector<16xi32>
    %add3A_102 = arith.addi %mul3A_10, %add3A_101 : vector<16xi32>
    %add3A_103 = arith.addi %add3A_102, %get3A_99 : vector<16xi32>
    tpu.vector_store_idx %arg5[%add3A_97], %broadcast_in_dim3A_7 : memref<32000xf32, #tpu.memory_space<vmem>>[vector<16xi32>], vector<16xf32>,
    tpu.vector_store_idx %arg5[%add3A_103], %broadcast_in_dim3A_7 : memref<32000xf32, #tpu.memory_space<vmem>>[vector<16xi32>], vector<16xf32>,
    %add3A_104 = arith.constant 128 : i32
    %add3A_105 = arith.addi %mul3A_2, %add3A_104 : i32
    %mul3A_106 = arith.constant 1000 : i32
    %mul3A_107 = arith.muli %add3A_105, %mul3A_106 : i32
    %dma_start3A_108 = tpu.memref_slice %arg3[%mul3A_107] : memref<16384000xf32, #tpu.memory_space<hbm>> -> memref<32000xf32, #tpu.memory_space<hbm>>
    %dma_start3A_109 = tpu.memref_slice %arg3[%mul3A_107] : memref<16384000xf32, #tpu.memory_space<hbm>> -> memref<32000xf32, #tpu.memory_space<hbm>>
    tpu.enqueue_dma source(%arg5 : memref<32000xf32, #tpu.memory_space<vmem>>) target(%dma_start3A_109 : memref<32000xf32, #tpu.memory_space<hbm>>) target_semaphore(%arg7 : memref<!tpu.dma_semaphore, #tpu.memory_space<semaphore_mem>>)
    %dma_wait3A_110 = tpu.memref_slice %arg3[%mul3A_87] : memref<16384000xf32, #tpu.memory_space<hbm>> -> memref<32000xf32, #tpu.memory_space<hbm>>
    %dma_wait3A_111 = tpu.memref_slice %arg3[%mul3A_87] : memref<16384000xf32, #tpu.memory_space<hbm>> -> memref<32000xf32, #tpu.memory_space<hbm>>
    tpu.wait_dma2 semaphore(%arg8 : memref<!tpu.dma_semaphore, #tpu.memory_space<semaphore_mem>>) src(%arg6 : memref<32000xf32, #tpu.memory_space<vmem>>) dst(%dma_wait3A_111 : memref<32000xf32, #tpu.memory_space<hbm>>)
    tpu.vector_store_idx %arg6[%add3A_77], %broadcast_in_dim3A_5 : memref<32000xf32, #tpu.memory_space<vmem>>[vector<16xi32>], vector<16xf32>,
    tpu.vector_store_idx %arg6[%add3A_83], %broadcast_in_dim3A_5 : memref<32000xf32, #tpu.memory_space<vmem>>[vector<16xi32>], vector<16xf32>,
    %get3A_112 = arith.constant 160 : index
    %get3A_113 = tpu.vector_load %arg4[%get3A_112] {strides = array<i32>} : memref<512xi32, #tpu.memory_space<vmem>>, vector<16xi32>,
    %add3A_114 = arith.constant 0 : i32
    %add3A_115 = vector.broadcast %add3A_114 : i32 to vector<16xi32>
    %add3A_116 = arith.addi %mul3A_10, %add3A_115 : vector<16xi32>
    %add3A_117 = arith.addi %add3A_116, %get3A_113 : vector<16xi32>
    %get3A_118 = arith.constant 176 : index
    %get3A_119 = tpu.vector_load %arg4[%get3A_118] {strides = array<i32>} : memref<512xi32, #tpu.memory_space<vmem>>, vector<16xi32>,
    %add3A_120 = arith.constant 16000 : i32
    %add3A_121 = vector.broadcast %add3A_120 : i32 to vector<16xi32>
    %add3A_122 = arith.addi %mul3A_10, %add3A_121 : vector<16xi32>
    %add3A_123 = arith.addi %add3A_122, %get3A_119 : vector<16xi32>
    tpu.vector_store_idx %arg6[%add3A_117], %broadcast_in_dim3A_7 : memref<32000xf32, #tpu.memory_space<vmem>>[vector<16xi32>], vector<16xf32>,
    tpu.vector_store_idx %arg6[%add3A_123], %broadcast_in_dim3A_7 : memref<32000xf32, #tpu.memory_space<vmem>>[vector<16xi32>], vector<16xf32>,
    %add3A_124 = arith.constant 160 : i32
    %add3A_125 = arith.addi %mul3A_2, %add3A_124 : i32
    %mul3A_126 = arith.constant 1000 : i32
    %mul3A_127 = arith.muli %add3A_125, %mul3A_126 : i32
    %dma_start3A_128 = tpu.memref_slice %arg3[%mul3A_127] : memref<16384000xf32, #tpu.memory_space<hbm>> -> memref<32000xf32, #tpu.memory_space<hbm>>
    %dma_start3A_129 = tpu.memref_slice %arg3[%mul3A_127] : memref<16384000xf32, #tpu.memory_space<hbm>> -> memref<32000xf32, #tpu.memory_space<hbm>>
    tpu.enqueue_dma source(%arg6 : memref<32000xf32, #tpu.memory_space<vmem>>) target(%dma_start3A_129 : memref<32000xf32, #tpu.memory_space<hbm>>) target_semaphore(%arg8 : memref<!tpu.dma_semaphore, #tpu.memory_space<semaphore_mem>>)
    %dma_wait3A_130 = tpu.memref_slice %arg3[%mul3A_107] : memref<16384000xf32, #tpu.memory_space<hbm>> -> memref<32000xf32, #tpu.memory_space<hbm>>
    %dma_wait3A_131 = tpu.memref_slice %arg3[%mul3A_107] : memref<16384000xf32, #tpu.memory_space<hbm>> -> memref<32000xf32, #tpu.memory_space<hbm>>
    tpu.wait_dma2 semaphore(%arg7 : memref<!tpu.dma_semaphore, #tpu.memory_space<semaphore_mem>>) src(%arg5 : memref<32000xf32, #tpu.memory_space<vmem>>) dst(%dma_wait3A_131 : memref<32000xf32, #tpu.memory_space<hbm>>)
    tpu.vector_store_idx %arg5[%add3A_97], %broadcast_in_dim3A_5 : memref<32000xf32, #tpu.memory_space<vmem>>[vector<16xi32>], vector<16xf32>,
    tpu.vector_store_idx %arg5[%add3A_103], %broadcast_in_dim3A_5 : memref<32000xf32, #tpu.memory_space<vmem>>[vector<16xi32>], vector<16xf32>,
    %get3A_132 = arith.constant 192 : index
    %get3A_133 = tpu.vector_load %arg4[%get3A_132] {strides = array<i32>} : memref<512xi32, #tpu.memory_space<vmem>>, vector<16xi32>,
    %add3A_134 = arith.constant 0 : i32
    %add3A_135 = vector.broadcast %add3A_134 : i32 to vector<16xi32>
    %add3A_136 = arith.addi %mul3A_10, %add3A_135 : vector<16xi32>
    %add3A_137 = arith.addi %add3A_136, %get3A_133 : vector<16xi32>
    %get3A_138 = arith.constant 208 : index
    %get3A_139 = tpu.vector_load %arg4[%get3A_138] {strides = array<i32>} : memref<512xi32, #tpu.memory_space<vmem>>, vector<16xi32>,
    %add3A_140 = arith.constant 16000 : i32
    %add3A_141 = vector.broadcast %add3A_140 : i32 to vector<16xi32>
    %add3A_142 = arith.addi %mul3A_10, %add3A_141 : vector<16xi32>
    %add3A_143 = arith.addi %add3A_142, %get3A_139 : vector<16xi32>
    tpu.vector_store_idx %arg5[%add3A_137], %broadcast_in_dim3A_7 : memref<32000xf32, #tpu.memory_space<vmem>>[vector<16xi32>], vector<16xf32>,
    tpu.vector_store_idx %arg5[%add3A_143], %broadcast_in_dim3A_7 : memref<32000xf32, #tpu.memory_space<vmem>>[vector<16xi32>], vector<16xf32>,
    %add3A_144 = arith.constant 192 : i32
    %add3A_145 = arith.addi %mul3A_2, %add3A_144 : i32
    %mul3A_146 = arith.constant 1000 : i32
    %mul3A_147 = arith.muli %add3A_145, %mul3A_146 : i32
    %dma_start3A_148 = tpu.memref_slice %arg3[%mul3A_147] : memref<16384000xf32, #tpu.memory_space<hbm>> -> memref<32000xf32, #tpu.memory_space<hbm>>
    %dma_start3A_149 = tpu.memref_slice %arg3[%mul3A_147] : memref<16384000xf32, #tpu.memory_space<hbm>> -> memref<32000xf32, #tpu.memory_space<hbm>>
    tpu.enqueue_dma source(%arg5 : memref<32000xf32, #tpu.memory_space<vmem>>) target(%dma_start3A_149 : memref<32000xf32, #tpu.memory_space<hbm>>) target_semaphore(%arg7 : memref<!tpu.dma_semaphore, #tpu.memory_space<semaphore_mem>>)
    %dma_wait3A_150 = tpu.memref_slice %arg3[%mul3A_127] : memref<16384000xf32, #tpu.memory_space<hbm>> -> memref<32000xf32, #tpu.memory_space<hbm>>
    %dma_wait3A_151 = tpu.memref_slice %arg3[%mul3A_127] : memref<16384000xf32, #tpu.memory_space<hbm>> -> memref<32000xf32, #tpu.memory_space<hbm>>
    tpu.wait_dma2 semaphore(%arg8 : memref<!tpu.dma_semaphore, #tpu.memory_space<semaphore_mem>>) src(%arg6 : memref<32000xf32, #tpu.memory_space<vmem>>) dst(%dma_wait3A_151 : memref<32000xf32, #tpu.memory_space<hbm>>)
    tpu.vector_store_idx %arg6[%add3A_117], %broadcast_in_dim3A_5 : memref<32000xf32, #tpu.memory_space<vmem>>[vector<16xi32>], vector<16xf32>,
    tpu.vector_store_idx %arg6[%add3A_123], %broadcast_in_dim3A_5 : memref<32000xf32, #tpu.memory_space<vmem>>[vector<16xi32>], vector<16xf32>,
    %get3A_152 = arith.constant 224 : index
    %get3A_153 = tpu.vector_load %arg4[%get3A_152] {strides = array<i32>} : memref<512xi32, #tpu.memory_space<vmem>>, vector<16xi32>,
    %add3A_154 = arith.constant 0 : i32
    %add3A_155 = vector.broadcast %add3A_154 : i32 to vector<16xi32>
    %add3A_156 = arith.addi %mul3A_10, %add3A_155 : vector<16xi32>
    %add3A_157 = arith.addi %add3A_156, %get3A_153 : vector<16xi32>
    %get3A_158 = arith.constant 240 : index
    %get3A_159 = tpu.vector_load %arg4[%get3A_158] {strides = array<i32>} : memref<512xi32, #tpu.memory_space<vmem>>, vector<16xi32>,
    %add3A_160 = arith.constant 16000 : i32
    %add3A_161 = vector.broadcast %add3A_160 : i32 to vector<16xi32>
    %add3A_162 = arith.addi %mul3A_10, %add3A_161 : vector<16xi32>
    %add3A_163 = arith.addi %add3A_162, %get3A_159 : vector<16xi32>
    tpu.vector_store_idx %arg6[%add3A_157], %broadcast_in_dim3A_7 : memref<32000xf32, #tpu.memory_space<vmem>>[vector<16xi32>], vector<16xf32>,
    tpu.vector_store_idx %arg6[%add3A_163], %broadcast_in_dim3A_7 : memref<32000xf32, #tpu.memory_space<vmem>>[vector<16xi32>], vector<16xf32>,
    %add3A_164 = arith.constant 224 : i32
    %add3A_165 = arith.addi %mul3A_2, %add3A_164 : i32
    %mul3A_166 = arith.constant 1000 : i32
    %mul3A_167 = arith.muli %add3A_165, %mul3A_166 : i32
    %dma_start3A_168 = tpu.memref_slice %arg3[%mul3A_167] : memref<16384000xf32, #tpu.memory_space<hbm>> -> memref<32000xf32, #tpu.memory_space<hbm>>
    %dma_start3A_169 = tpu.memref_slice %arg3[%mul3A_167] : memref<16384000xf32, #tpu.memory_space<hbm>> -> memref<32000xf32, #tpu.memory_space<hbm>>
    tpu.enqueue_dma source(%arg6 : memref<32000xf32, #tpu.memory_space<vmem>>) target(%dma_start3A_169 : memref<32000xf32, #tpu.memory_space<hbm>>) target_semaphore(%arg8 : memref<!tpu.dma_semaphore, #tpu.memory_space<semaphore_mem>>)
    %dma_wait3A_170 = tpu.memref_slice %arg3[%mul3A_147] : memref<16384000xf32, #tpu.memory_space<hbm>> -> memref<32000xf32, #tpu.memory_space<hbm>>
    %dma_wait3A_171 = tpu.memref_slice %arg3[%mul3A_147] : memref<16384000xf32, #tpu.memory_space<hbm>> -> memref<32000xf32, #tpu.memory_space<hbm>>
    tpu.wait_dma2 semaphore(%arg7 : memref<!tpu.dma_semaphore, #tpu.memory_space<semaphore_mem>>) src(%arg5 : memref<32000xf32, #tpu.memory_space<vmem>>) dst(%dma_wait3A_171 : memref<32000xf32, #tpu.memory_space<hbm>>)
    tpu.vector_store_idx %arg5[%add3A_137], %broadcast_in_dim3A_5 : memref<32000xf32, #tpu.memory_space<vmem>>[vector<16xi32>], vector<16xf32>,
    tpu.vector_store_idx %arg5[%add3A_143], %broadcast_in_dim3A_5 : memref<32000xf32, #tpu.memory_space<vmem>>[vector<16xi32>], vector<16xf32>,
    %get3A_172 = arith.constant 256 : index
    %get3A_173 = tpu.vector_load %arg4[%get3A_172] {strides = array<i32>} : memref<512xi32, #tpu.memory_space<vmem>>, vector<16xi32>,
    %add3A_174 = arith.constant 0 : i32
    %add3A_175 = vector.broadcast %add3A_174 : i32 to vector<16xi32>
    %add3A_176 = arith.addi %mul3A_10, %add3A_175 : vector<16xi32>
    %add3A_177 = arith.addi %add3A_176, %get3A_173 : vector<16xi32>
    %get3A_178 = arith.constant 272 : index
    %get3A_179 = tpu.vector_load %arg4[%get3A_178] {strides = array<i32>} : memref<512xi32, #tpu.memory_space<vmem>>, vector<16xi32>,
    %add3A_180 = arith.constant 16000 : i32
    %add3A_181 = vector.broadcast %add3A_180 : i32 to vector<16xi32>
    %add3A_182 = arith.addi %mul3A_10, %add3A_181 : vector<16xi32>
    %add3A_183 = arith.addi %add3A_182, %get3A_179 : vector<16xi32>
    tpu.vector_store_idx %arg5[%add3A_177], %broadcast_in_dim3A_7 : memref<32000xf32, #tpu.memory_space<vmem>>[vector<16xi32>], vector<16xf32>,
    tpu.vector_store_idx %arg5[%add3A_183], %broadcast_in_dim3A_7 : memref<32000xf32, #tpu.memory_space<vmem>>[vector<16xi32>], vector<16xf32>,
    %add3A_184 = arith.constant 256 : i32
    %add3A_185 = arith.addi %mul3A_2, %add3A_184 : i32
    %mul3A_186 = arith.constant 1000 : i32
    %mul3A_187 = arith.muli %add3A_185, %mul3A_186 : i32
    %dma_start3A_188 = tpu.memref_slice %arg3[%mul3A_187] : memref<16384000xf32, #tpu.memory_space<hbm>> -> memref<32000xf32, #tpu.memory_space<hbm>>
    %dma_start3A_189 = tpu.memref_slice %arg3[%mul3A_187] : memref<16384000xf32, #tpu.memory_space<hbm>> -> memref<32000xf32, #tpu.memory_space<hbm>>
    tpu.enqueue_dma source(%arg5 : memref<32000xf32, #tpu.memory_space<vmem>>) target(%dma_start3A_189 : memref<32000xf32, #tpu.memory_space<hbm>>) target_semaphore(%arg7 : memref<!tpu.dma_semaphore, #tpu.memory_space<semaphore_mem>>)
    %dma_wait3A_190 = tpu.memref_slice %arg3[%mul3A_167] : memref<16384000xf32, #tpu.memory_space<hbm>> -> memref<32000xf32, #tpu.memory_space<hbm>>
    %dma_wait3A_191 = tpu.memref_slice %arg3[%mul3A_167] : memref<16384000xf32, #tpu.memory_space<hbm>> -> memref<32000xf32, #tpu.memory_space<hbm>>
    tpu.wait_dma2 semaphore(%arg8 : memref<!tpu.dma_semaphore, #tpu.memory_space<semaphore_mem>>) src(%arg6 : memref<32000xf32, #tpu.memory_space<vmem>>) dst(%dma_wait3A_191 : memref<32000xf32, #tpu.memory_space<hbm>>)
    tpu.vector_store_idx %arg6[%add3A_157], %broadcast_in_dim3A_5 : memref<32000xf32, #tpu.memory_space<vmem>>[vector<16xi32>], vector<16xf32>,
    tpu.vector_store_idx %arg6[%add3A_163], %broadcast_in_dim3A_5 : memref<32000xf32, #tpu.memory_space<vmem>>[vector<16xi32>], vector<16xf32>,
    %get3A_192 = arith.constant 288 : index
    %get3A_193 = tpu.vector_load %arg4[%get3A_192] {strides = array<i32>} : memref<512xi32, #tpu.memory_space<vmem>>, vector<16xi32>,
    %add3A_194 = arith.constant 0 : i32
    %add3A_195 = vector.broadcast %add3A_194 : i32 to vector<16xi32>
    %add3A_196 = arith.addi %mul3A_10, %add3A_195 : vector<16xi32>
    %add3A_197 = arith.addi %add3A_196, %get3A_193 : vector<16xi32>
    %get3A_198 = arith.constant 304 : index
    %get3A_199 = tpu.vector_load %arg4[%get3A_198] {strides = array<i32>} : memref<512xi32, #tpu.memory_space<vmem>>, vector<16xi32>,
    %add3A_200 = arith.constant 16000 : i32
    %add3A_201 = vector.broadcast %add3A_200 : i32 to vector<16xi32>
    %add3A_202 = arith.addi %mul3A_10, %add3A_201 : vector<16xi32>
    %add3A_203 = arith.addi %add3A_202, %get3A_199 : vector<16xi32>
    tpu.vector_store_idx %arg6[%add3A_197], %broadcast_in_dim3A_7 : memref<32000xf32, #tpu.memory_space<vmem>>[vector<16xi32>], vector<16xf32>,
    tpu.vector_store_idx %arg6[%add3A_203], %broadcast_in_dim3A_7 : memref<32000xf32, #tpu.memory_space<vmem>>[vector<16xi32>], vector<16xf32>,
    %add3A_204 = arith.constant 288 : i32
    %add3A_205 = arith.addi %mul3A_2, %add3A_204 : i32
    %mul3A_206 = arith.constant 1000 : i32
    %mul3A_207 = arith.muli %add3A_205, %mul3A_206 : i32
    %dma_start3A_208 = tpu.memref_slice %arg3[%mul3A_207] : memref<16384000xf32, #tpu.memory_space<hbm>> -> memref<32000xf32, #tpu.memory_space<hbm>>
    %dma_start3A_209 = tpu.memref_slice %arg3[%mul3A_207] : memref<16384000xf32, #tpu.memory_space<hbm>> -> memref<32000xf32, #tpu.memory_space<hbm>>
    tpu.enqueue_dma source(%arg6 : memref<32000xf32, #tpu.memory_space<vmem>>) target(%dma_start3A_209 : memref<32000xf32, #tpu.memory_space<hbm>>) target_semaphore(%arg8 : memref<!tpu.dma_semaphore, #tpu.memory_space<semaphore_mem>>)
    %dma_wait3A_210 = tpu.memref_slice %arg3[%mul3A_187] : memref<16384000xf32, #tpu.memory_space<hbm>> -> memref<32000xf32, #tpu.memory_space<hbm>>
    %dma_wait3A_211 = tpu.memref_slice %arg3[%mul3A_187] : memref<16384000xf32, #tpu.memory_space<hbm>> -> memref<32000xf32, #tpu.memory_space<hbm>>
    tpu.wait_dma2 semaphore(%arg7 : memref<!tpu.dma_semaphore, #tpu.memory_space<semaphore_mem>>) src(%arg5 : memref<32000xf32, #tpu.memory_space<vmem>>) dst(%dma_wait3A_211 : memref<32000xf32, #tpu.memory_space<hbm>>)
    tpu.vector_store_idx %arg5[%add3A_177], %broadcast_in_dim3A_5 : memref<32000xf32, #tpu.memory_space<vmem>>[vector<16xi32>], vector<16xf32>,
    tpu.vector_store_idx %arg5[%add3A_183], %broadcast_in_dim3A_5 : memref<32000xf32, #tpu.memory_space<vmem>>[vector<16xi32>], vector<16xf32>,
    %get3A_212 = arith.constant 320 : index
    %get3A_213 = tpu.vector_load %arg4[%get3A_212] {strides = array<i32>} : memref<512xi32, #tpu.memory_space<vmem>>, vector<16xi32>,
    %add3A_214 = arith.constant 0 : i32
    %add3A_215 = vector.broadcast %add3A_214 : i32 to vector<16xi32>
    %add3A_216 = arith.addi %mul3A_10, %add3A_215 : vector<16xi32>
    %add3A_217 = arith.addi %add3A_216, %get3A_213 : vector<16xi32>
    %get3A_218 = arith.constant 336 : index
    %get3A_219 = tpu.vector_load %arg4[%get3A_218] {strides = array<i32>} : memref<512xi32, #tpu.memory_space<vmem>>, vector<16xi32>,
    %add3A_220 = arith.constant 16000 : i32
    %add3A_221 = vector.broadcast %add3A_220 : i32 to vector<16xi32>
    %add3A_222 = arith.addi %mul3A_10, %add3A_221 : vector<16xi32>
    %add3A_223 = arith.addi %add3A_222, %get3A_219 : vector<16xi32>
    tpu.vector_store_idx %arg5[%add3A_217], %broadcast_in_dim3A_7 : memref<32000xf32, #tpu.memory_space<vmem>>[vector<16xi32>], vector<16xf32>,
    tpu.vector_store_idx %arg5[%add3A_223], %broadcast_in_dim3A_7 : memref<32000xf32, #tpu.memory_space<vmem>>[vector<16xi32>], vector<16xf32>,
    %add3A_224 = arith.constant 320 : i32
    %add3A_225 = arith.addi %mul3A_2, %add3A_224 : i32
    %mul3A_226 = arith.constant 1000 : i32
    %mul3A_227 = arith.muli %add3A_225, %mul3A_226 : i32
    %dma_start3A_228 = tpu.memref_slice %arg3[%mul3A_227] : memref<16384000xf32, #tpu.memory_space<hbm>> -> memref<32000xf32, #tpu.memory_space<hbm>>
    %dma_start3A_229 = tpu.memref_slice %arg3[%mul3A_227] : memref<16384000xf32, #tpu.memory_space<hbm>> -> memref<32000xf32, #tpu.memory_space<hbm>>
    tpu.enqueue_dma source(%arg5 : memref<32000xf32, #tpu.memory_space<vmem>>) target(%dma_start3A_229 : memref<32000xf32, #tpu.memory_space<hbm>>) target_semaphore(%arg7 : memref<!tpu.dma_semaphore, #tpu.memory_space<semaphore_mem>>)
    %dma_wait3A_230 = tpu.memref_slice %arg3[%mul3A_207] : memref<16384000xf32, #tpu.memory_space<hbm>> -> memref<32000xf32, #tpu.memory_space<hbm>>
    %dma_wait3A_231 = tpu.memref_slice %arg3[%mul3A_207] : memref<16384000xf32, #tpu.memory_space<hbm>> -> memref<32000xf32, #tpu.memory_space<hbm>>
    tpu.wait_dma2 semaphore(%arg8 : memref<!tpu.dma_semaphore, #tpu.memory_space<semaphore_mem>>) src(%arg6 : memref<32000xf32, #tpu.memory_space<vmem>>) dst(%dma_wait3A_231 : memref<32000xf32, #tpu.memory_space<hbm>>)
    tpu.vector_store_idx %arg6[%add3A_197], %broadcast_in_dim3A_5 : memref<32000xf32, #tpu.memory_space<vmem>>[vector<16xi32>], vector<16xf32>,
    tpu.vector_store_idx %arg6[%add3A_203], %broadcast_in_dim3A_5 : memref<32000xf32, #tpu.memory_space<vmem>>[vector<16xi32>], vector<16xf32>,
    %get3A_232 = arith.constant 352 : index
    %get3A_233 = tpu.vector_load %arg4[%get3A_232] {strides = array<i32>} : memref<512xi32, #tpu.memory_space<vmem>>, vector<16xi32>,
    %add3A_234 = arith.constant 0 : i32
    %add3A_235 = vector.broadcast %add3A_234 : i32 to vector<16xi32>
    %add3A_236 = arith.addi %mul3A_10, %add3A_235 : vector<16xi32>
    %add3A_237 = arith.addi %add3A_236, %get3A_233 : vector<16xi32>
    %get3A_238 = arith.constant 368 : index
    %get3A_239 = tpu.vector_load %arg4[%get3A_238] {strides = array<i32>} : memref<512xi32, #tpu.memory_space<vmem>>, vector<16xi32>,
    %add3A_240 = arith.constant 16000 : i32
    %add3A_241 = vector.broadcast %add3A_240 : i32 to vector<16xi32>
    %add3A_242 = arith.addi %mul3A_10, %add3A_241 : vector<16xi32>
    %add3A_243 = arith.addi %add3A_242, %get3A_239 : vector<16xi32>
    tpu.vector_store_idx %arg6[%add3A_237], %broadcast_in_dim3A_7 : memref<32000xf32, #tpu.memory_space<vmem>>[vector<16xi32>], vector<16xf32>,
    tpu.vector_store_idx %arg6[%add3A_243], %broadcast_in_dim3A_7 : memref<32000xf32, #tpu.memory_space<vmem>>[vector<16xi32>], vector<16xf32>,
    %add3A_244 = arith.constant 352 : i32
    %add3A_245 = arith.addi %mul3A_2, %add3A_244 : i32
    %mul3A_246 = arith.constant 1000 : i32
    %mul3A_247 = arith.muli %add3A_245, %mul3A_246 : i32
    %dma_start3A_248 = tpu.memref_slice %arg3[%mul3A_247] : memref<16384000xf32, #tpu.memory_space<hbm>> -> memref<32000xf32, #tpu.memory_space<hbm>>
    %dma_start3A_249 = tpu.memref_slice %arg3[%mul3A_247] : memref<16384000xf32, #tpu.memory_space<hbm>> -> memref<32000xf32, #tpu.memory_space<hbm>>
    tpu.enqueue_dma source(%arg6 : memref<32000xf32, #tpu.memory_space<vmem>>) target(%dma_start3A_249 : memref<32000xf32, #tpu.memory_space<hbm>>) target_semaphore(%arg8 : memref<!tpu.dma_semaphore, #tpu.memory_space<semaphore_mem>>)
    %dma_wait3A_250 = tpu.memref_slice %arg3[%mul3A_227] : memref<16384000xf32, #tpu.memory_space<hbm>> -> memref<32000xf32, #tpu.memory_space<hbm>>
    %dma_wait3A_251 = tpu.memref_slice %arg3[%mul3A_227] : memref<16384000xf32, #tpu.memory_space<hbm>> -> memref<32000xf32, #tpu.memory_space<hbm>>
    tpu.wait_dma2 semaphore(%arg7 : memref<!tpu.dma_semaphore, #tpu.memory_space<semaphore_mem>>) src(%arg5 : memref<32000xf32, #tpu.memory_space<vmem>>) dst(%dma_wait3A_251 : memref<32000xf32, #tpu.memory_space<hbm>>)
    tpu.vector_store_idx %arg5[%add3A_217], %broadcast_in_dim3A_5 : memref<32000xf32, #tpu.memory_space<vmem>>[vector<16xi32>], vector<16xf32>,
    tpu.vector_store_idx %arg5[%add3A_223], %broadcast_in_dim3A_5 : memref<32000xf32, #tpu.memory_space<vmem>>[vector<16xi32>], vector<16xf32>,
    %get3A_252 = arith.constant 384 : index
    %get3A_253 = tpu.vector_load %arg4[%get3A_252] {strides = array<i32>} : memref<512xi32, #tpu.memory_space<vmem>>, vector<16xi32>,
    %add3A_254 = arith.constant 0 : i32
    %add3A_255 = vector.broadcast %add3A_254 : i32 to vector<16xi32>
    %add3A_256 = arith.addi %mul3A_10, %add3A_255 : vector<16xi32>
    %add3A_257 = arith.addi %add3A_256, %get3A_253 : vector<16xi32>
    %get3A_258 = arith.constant 400 : index
    %get3A_259 = tpu.vector_load %arg4[%get3A_258] {strides = array<i32>} : memref<512xi32, #tpu.memory_space<vmem>>, vector<16xi32>,
    %add3A_260 = arith.constant 16000 : i32
    %add3A_261 = vector.broadcast %add3A_260 : i32 to vector<16xi32>
    %add3A_262 = arith.addi %mul3A_10, %add3A_261 : vector<16xi32>
    %add3A_263 = arith.addi %add3A_262, %get3A_259 : vector<16xi32>
    tpu.vector_store_idx %arg5[%add3A_257], %broadcast_in_dim3A_7 : memref<32000xf32, #tpu.memory_space<vmem>>[vector<16xi32>], vector<16xf32>,
    tpu.vector_store_idx %arg5[%add3A_263], %broadcast_in_dim3A_7 : memref<32000xf32, #tpu.memory_space<vmem>>[vector<16xi32>], vector<16xf32>,
    %add3A_264 = arith.constant 384 : i32
    %add3A_265 = arith.addi %mul3A_2, %add3A_264 : i32
    %mul3A_266 = arith.constant 1000 : i32
    %mul3A_267 = arith.muli %add3A_265, %mul3A_266 : i32
    %dma_start3A_268 = tpu.memref_slice %arg3[%mul3A_267] : memref<16384000xf32, #tpu.memory_space<hbm>> -> memref<32000xf32, #tpu.memory_space<hbm>>
    %dma_start3A_269 = tpu.memref_slice %arg3[%mul3A_267] : memref<16384000xf32, #tpu.memory_space<hbm>> -> memref<32000xf32, #tpu.memory_space<hbm>>
    tpu.enqueue_dma source(%arg5 : memref<32000xf32, #tpu.memory_space<vmem>>) target(%dma_start3A_269 : memref<32000xf32, #tpu.memory_space<hbm>>) target_semaphore(%arg7 : memref<!tpu.dma_semaphore, #tpu.memory_space<semaphore_mem>>)
    %dma_wait3A_270 = tpu.memref_slice %arg3[%mul3A_247] : memref<16384000xf32, #tpu.memory_space<hbm>> -> memref<32000xf32, #tpu.memory_space<hbm>>
    %dma_wait3A_271 = tpu.memref_slice %arg3[%mul3A_247] : memref<16384000xf32, #tpu.memory_space<hbm>> -> memref<32000xf32, #tpu.memory_space<hbm>>
    tpu.wait_dma2 semaphore(%arg8 : memref<!tpu.dma_semaphore, #tpu.memory_space<semaphore_mem>>) src(%arg6 : memref<32000xf32, #tpu.memory_space<vmem>>) dst(%dma_wait3A_271 : memref<32000xf32, #tpu.memory_space<hbm>>)
    tpu.vector_store_idx %arg6[%add3A_237], %broadcast_in_dim3A_5 : memref<32000xf32, #tpu.memory_space<vmem>>[vector<16xi32>], vector<16xf32>,
    tpu.vector_store_idx %arg6[%add3A_243], %broadcast_in_dim3A_5 : memref<32000xf32, #tpu.memory_space<vmem>>[vector<16xi32>], vector<16xf32>,
    %get3A_272 = arith.constant 416 : index
    %get3A_273 = tpu.vector_load %arg4[%get3A_272] {strides = array<i32>} : memref<512xi32, #tpu.memory_space<vmem>>, vector<16xi32>,
    %add3A_274 = arith.constant 0 : i32
    %add3A_275 = vector.broadcast %add3A_274 : i32 to vector<16xi32>
    %add3A_276 = arith.addi %mul3A_10, %add3A_275 : vector<16xi32>
    %add3A_277 = arith.addi %add3A_276, %get3A_273 : vector<16xi32>
    %get3A_278 = arith.constant 432 : index
    %get3A_279 = tpu.vector_load %arg4[%get3A_278] {strides = array<i32>} : memref<512xi32, #tpu.memory_space<vmem>>, vector<16xi32>,
    %add3A_280 = arith.constant 16000 : i32
    %add3A_281 = vector.broadcast %add3A_280 : i32 to vector<16xi32>
    %add3A_282 = arith.addi %mul3A_10, %add3A_281 : vector<16xi32>
    %add3A_283 = arith.addi %add3A_282, %get3A_279 : vector<16xi32>
    tpu.vector_store_idx %arg6[%add3A_277], %broadcast_in_dim3A_7 : memref<32000xf32, #tpu.memory_space<vmem>>[vector<16xi32>], vector<16xf32>,
    tpu.vector_store_idx %arg6[%add3A_283], %broadcast_in_dim3A_7 : memref<32000xf32, #tpu.memory_space<vmem>>[vector<16xi32>], vector<16xf32>,
    %add3A_284 = arith.constant 416 : i32
    %add3A_285 = arith.addi %mul3A_2, %add3A_284 : i32
    %mul3A_286 = arith.constant 1000 : i32
    %mul3A_287 = arith.muli %add3A_285, %mul3A_286 : i32
    %dma_start3A_288 = tpu.memref_slice %arg3[%mul3A_287] : memref<16384000xf32, #tpu.memory_space<hbm>> -> memref<32000xf32, #tpu.memory_space<hbm>>
    %dma_start3A_289 = tpu.memref_slice %arg3[%mul3A_287] : memref<16384000xf32, #tpu.memory_space<hbm>> -> memref<32000xf32, #tpu.memory_space<hbm>>
    tpu.enqueue_dma source(%arg6 : memref<32000xf32, #tpu.memory_space<vmem>>) target(%dma_start3A_289 : memref<32000xf32, #tpu.memory_space<hbm>>) target_semaphore(%arg8 : memref<!tpu.dma_semaphore, #tpu.memory_space<semaphore_mem>>)
    %dma_wait3A_290 = tpu.memref_slice %arg3[%mul3A_267] : memref<16384000xf32, #tpu.memory_space<hbm>> -> memref<32000xf32, #tpu.memory_space<hbm>>
    %dma_wait3A_291 = tpu.memref_slice %arg3[%mul3A_267] : memref<16384000xf32, #tpu.memory_space<hbm>> -> memref<32000xf32, #tpu.memory_space<hbm>>
    tpu.wait_dma2 semaphore(%arg7 : memref<!tpu.dma_semaphore, #tpu.memory_space<semaphore_mem>>) src(%arg5 : memref<32000xf32, #tpu.memory_space<vmem>>) dst(%dma_wait3A_291 : memref<32000xf32, #tpu.memory_space<hbm>>)
    tpu.vector_store_idx %arg5[%add3A_257], %broadcast_in_dim3A_5 : memref<32000xf32, #tpu.memory_space<vmem>>[vector<16xi32>], vector<16xf32>,
    tpu.vector_store_idx %arg5[%add3A_263], %broadcast_in_dim3A_5 : memref<32000xf32, #tpu.memory_space<vmem>>[vector<16xi32>], vector<16xf32>,
    %get3A_292 = arith.constant 448 : index
    %get3A_293 = tpu.vector_load %arg4[%get3A_292] {strides = array<i32>} : memref<512xi32, #tpu.memory_space<vmem>>, vector<16xi32>,
    %add3A_294 = arith.constant 0 : i32
    %add3A_295 = vector.broadcast %add3A_294 : i32 to vector<16xi32>
    %add3A_296 = arith.addi %mul3A_10, %add3A_295 : vector<16xi32>
    %add3A_297 = arith.addi %add3A_296, %get3A_293 : vector<16xi32>
    %get3A_298 = arith.constant 464 : index
    %get3A_299 = tpu.vector_load %arg4[%get3A_298] {strides = array<i32>} : memref<512xi32, #tpu.memory_space<vmem>>, vector<16xi32>,
    %add3A_300 = arith.constant 16000 : i32
    %add3A_301 = vector.broadcast %add3A_300 : i32 to vector<16xi32>
    %add3A_302 = arith.addi %mul3A_10, %add3A_301 : vector<16xi32>
    %add3A_303 = arith.addi %add3A_302, %get3A_299 : vector<16xi32>
    tpu.vector_store_idx %arg5[%add3A_297], %broadcast_in_dim3A_7 : memref<32000xf32, #tpu.memory_space<vmem>>[vector<16xi32>], vector<16xf32>,
    tpu.vector_store_idx %arg5[%add3A_303], %broadcast_in_dim3A_7 : memref<32000xf32, #tpu.memory_space<vmem>>[vector<16xi32>], vector<16xf32>,
    %add3A_304 = arith.constant 448 : i32
    %add3A_305 = arith.addi %mul3A_2, %add3A_304 : i32
    %mul3A_306 = arith.constant 1000 : i32
    %mul3A_307 = arith.muli %add3A_305, %mul3A_306 : i32
    %dma_start3A_308 = tpu.memref_slice %arg3[%mul3A_307] : memref<16384000xf32, #tpu.memory_space<hbm>> -> memref<32000xf32, #tpu.memory_space<hbm>>
    %dma_start3A_309 = tpu.memref_slice %arg3[%mul3A_307] : memref<16384000xf32, #tpu.memory_space<hbm>> -> memref<32000xf32, #tpu.memory_space<hbm>>
    tpu.enqueue_dma source(%arg5 : memref<32000xf32, #tpu.memory_space<vmem>>) target(%dma_start3A_309 : memref<32000xf32, #tpu.memory_space<hbm>>) target_semaphore(%arg7 : memref<!tpu.dma_semaphore, #tpu.memory_space<semaphore_mem>>)
    %dma_wait3A_310 = tpu.memref_slice %arg3[%mul3A_287] : memref<16384000xf32, #tpu.memory_space<hbm>> -> memref<32000xf32, #tpu.memory_space<hbm>>
    %dma_wait3A_311 = tpu.memref_slice %arg3[%mul3A_287] : memref<16384000xf32, #tpu.memory_space<hbm>> -> memref<32000xf32, #tpu.memory_space<hbm>>
    tpu.wait_dma2 semaphore(%arg8 : memref<!tpu.dma_semaphore, #tpu.memory_space<semaphore_mem>>) src(%arg6 : memref<32000xf32, #tpu.memory_space<vmem>>) dst(%dma_wait3A_311 : memref<32000xf32, #tpu.memory_space<hbm>>)
    tpu.vector_store_idx %arg6[%add3A_277], %broadcast_in_dim3A_5 : memref<32000xf32, #tpu.memory_space<vmem>>[vector<16xi32>], vector<16xf32>,
    tpu.vector_store_idx %arg6[%add3A_283], %broadcast_in_dim3A_5 : memref<32000xf32, #tpu.memory_space<vmem>>[vector<16xi32>], vector<16xf32>,
    %get3A_312 = arith.constant 480 : index
    %get3A_313 = tpu.vector_load %arg4[%get3A_312] {strides = array<i32>} : memref<512xi32, #tpu.memory_space<vmem>>, vector<16xi32>,
    %add3A_314 = arith.constant 0 : i32
    %add3A_315 = vector.broadcast %add3A_314 : i32 to vector<16xi32>
    %add3A_316 = arith.addi %mul3A_10, %add3A_315 : vector<16xi32>
    %add3A_317 = arith.addi %add3A_316, %get3A_313 : vector<16xi32>
    %get3A_318 = arith.constant 496 : index
    %get3A_319 = tpu.vector_load %arg4[%get3A_318] {strides = array<i32>} : memref<512xi32, #tpu.memory_space<vmem>>, vector<16xi32>,
    %add3A_320 = arith.constant 16000 : i32
    %add3A_321 = vector.broadcast %add3A_320 : i32 to vector<16xi32>
    %add3A_322 = arith.addi %mul3A_10, %add3A_321 : vector<16xi32>
    %add3A_323 = arith.addi %add3A_322, %get3A_319 : vector<16xi32>
    tpu.vector_store_idx %arg6[%add3A_317], %broadcast_in_dim3A_7 : memref<32000xf32, #tpu.memory_space<vmem>>[vector<16xi32>], vector<16xf32>,
    tpu.vector_store_idx %arg6[%add3A_323], %broadcast_in_dim3A_7 : memref<32000xf32, #tpu.memory_space<vmem>>[vector<16xi32>], vector<16xf32>,
    %add3A_324 = arith.constant 480 : i32
    %add3A_325 = arith.addi %mul3A_2, %add3A_324 : i32
    %mul3A_326 = arith.constant 1000 : i32
    %mul3A_327 = arith.muli %add3A_325, %mul3A_326 : i32
    %dma_start3A_328 = tpu.memref_slice %arg3[%mul3A_327] : memref<16384000xf32, #tpu.memory_space<hbm>> -> memref<32000xf32, #tpu.memory_space<hbm>>
    %dma_start3A_329 = tpu.memref_slice %arg3[%mul3A_327] : memref<16384000xf32, #tpu.memory_space<hbm>> -> memref<32000xf32, #tpu.memory_space<hbm>>
    tpu.enqueue_dma source(%arg6 : memref<32000xf32, #tpu.memory_space<vmem>>) target(%dma_start3A_329 : memref<32000xf32, #tpu.memory_space<hbm>>) target_semaphore(%arg8 : memref<!tpu.dma_semaphore, #tpu.memory_space<semaphore_mem>>)
    %dma_wait3A_330 = tpu.memref_slice %arg3[%mul3A_307] : memref<16384000xf32, #tpu.memory_space<hbm>> -> memref<32000xf32, #tpu.memory_space<hbm>>
    %dma_wait3A_331 = tpu.memref_slice %arg3[%mul3A_307] : memref<16384000xf32, #tpu.memory_space<hbm>> -> memref<32000xf32, #tpu.memory_space<hbm>>
    tpu.wait_dma2 semaphore(%arg7 : memref<!tpu.dma_semaphore, #tpu.memory_space<semaphore_mem>>) src(%arg5 : memref<32000xf32, #tpu.memory_space<vmem>>) dst(%dma_wait3A_331 : memref<32000xf32, #tpu.memory_space<hbm>>)
    %dma_wait3A_332 = tpu.memref_slice %arg3[%mul3A_327] : memref<16384000xf32, #tpu.memory_space<hbm>> -> memref<32000xf32, #tpu.memory_space<hbm>>
    %dma_wait3A_333 = tpu.memref_slice %arg3[%mul3A_327] : memref<16384000xf32, #tpu.memory_space<hbm>> -> memref<32000xf32, #tpu.memory_space<hbm>>
    tpu.wait_dma2 semaphore(%arg8 : memref<!tpu.dma_semaphore, #tpu.memory_space<semaphore_mem>>) src(%arg6 : memref<32000xf32, #tpu.memory_space<vmem>>) dst(%dma_wait3A_333 : memref<32000xf32, #tpu.memory_space<hbm>>)
    return
  }
}

</mosaic_0001>

<sc_bundles>
// kernel: kernel.3.cloned.1.call-start
scs
__scs_entry_jumppad:
0x0: {  	(pc) =	sbr.rel $0x88, $3  }
0x1: {  	(tag) =	ssettag $0x0;
	lr =	simm.s32 $0x1  }
0x2: {  	[smem:$0x3FA0] =	sst lr;
	_ =	strace $0xD0000000  }
0x3: {  	_ = 	snop  }
0x4: {  	_ = 	snop  }
0x5: {  	_ = 	snop  }
0x6: {  	_ = 	snop  }
0x7: {  	_ = 	snop  }
__scs_overlays_trampoline_lowered:
0x8: {  	[smem:$0x3FAF] =	sst s0  }
0x9: {  	[smem:$0x3FB0] =	sst s1  }
0xa: {  	[smem:$0x3FB1] =	sst s2  }
0xb: {  	[smem:$0x3FB2] =	sst s3  }
0xc: {  	[smem:$0x3FB3] =	sst s4  }
0xd: {  	[smem:$0x3FB4] =	sst s5  }
0xe: {  	[smem:$0x3FB5] =	sst s6  }
0xf: {  	[smem:$0x3FB6] =	sst s7  }
0x10: {  	[smem:$0x3FB7] =	sst s8  }
0x11: {  	[smem:$0x3FB8] =	sst s9;
	s0 =	simm.s32 @!p0 $0x0  }
0x12: {  	s1 =	sld [smem:$0x3F9E];
	s0 =	simm.s32 @p0 $0x1  }
0x13: {  	[smem:$0x3FB9] =	sst s0;
	s0 =	simm.s32 @!p1 $0x0  }
0x14: {  	s2 =	sld [smem:$0x3F9D];
	s0 =	simm.s32 @p1 $0x1  }
0x15: {  	[smem:$0x3FBA] =	sst s0;
	s0 =	simm.s32 @!p2 $0x0  }
0x16: {  	s3 =	sld [smem:$0x3FDB];
	s0 =	simm.s32 @p2 $0x1  }
0x17: {  	s4 =	simm.s32 $0x1BF5;
	[smem:$0x3FBC] =	sst s0  }
0x18: {  	s0 =	sld [smem:$0x3F9F];
	_ =	swait.ge [sflag:s4], $0x0  }
0x19: {  	s7 =	sld [smem:$0x3FA0]  }
0x1a: {  	s8 =	sadd.s32 $0xFFFFE003, lr  }
0x1b: {  	s9 =	sadd.s32 $0xFFFFFEF7, lr;
	s5 =	simm.s32 $0xFFFFFFFF;
	p2 =	slt.u32 s8, $0xFFFFF086  }
0x1c: {  	p1 =	slt.u32 s9, $0xF7A;
	s5 =	simm.s32 @!p2 $0x0  }
0x1d: {  	s5 =	simm.s32 @p1 $0x1;
	p0 =	seq.s32 s7, s2  }
0x1e: {  	s7 =	smul.u32 @!p0 $0xF7A, s2;
	p2 =	seq.s32 @!p0 s5, $0x0  }
0x1f: {  	s9 =	smul.u32 $0xF7A, s1;
	s8 =	simm.s32 @!p0 $0x1BF5;
	p2 =	por !p2, p0  }
0x20: {  	[sflag:s8] =	ssyncset.s32 @!p0 $0xFFFFF086;
	s6 =	sadd.s32 @!p0 s3, s7;
	s7 =	simm.s32 @!p0 $0x108  }
0x21: {  	s3 =	sadd.s32 s3, s9;
	s6 =	sadd.s32 @!p0 $0x88, s6;
	s7 =	simm.s32 @p2 $0x1082  }
0x22: {  	[simem:s7], [sflag:s8] =	dma.local @!p0 [hbm:s6], $0xF7A  }
0x23: {  	s9 =	sor.u32 $0xD0000000, s2;
	s6 =	simm.s32 $0x108;
	_ =	swait.ge @!p0 [sflag:s8], $0x0  }
0x24: {  	s3 =	sadd.s32 $0x88, s3;
	s6 =	simm.s32 @!p1 $0x1082;
	[sflag:s4] =	ssyncset.s32 $0xFFFFF086  }
0x25: {  	[simem:s6], [sflag:s4] =	dma.local [hbm:s3], $0xF7A  }
0x26: {  	[smem:$0x3FA0] =	sst s1;
	(tag) =	ssettag s2;
	_ =	strace s9  }
0x27: {  	s1 =	sld [smem:$0x3FB0]  }
0x28: {  	s2 =	sld [smem:$0x3FB1]  }
0x29: {  	s4 =	sld [smem:$0x3FB3]  }
0x2a: {  	p0 =	seq.s32 s5, $0x0;
	s5 =	sld [smem:$0x3FB4]  }
0x2b: {  	s6 =	sld [smem:$0x3FB5]  }
0x2c: {  	s7 =	sld [smem:$0x3FB6]  }
0x2d: {  	s3 =	simm.s32 $0x108;
	s8 =	sld [smem:$0x3FB7]  }
0x2e: {  	s3 =	simm.s32 @!p0 $0x1082;
	s9 =	sld [smem:$0x3FB8]  }
0x2f: {  	lr =	sadd.s32 s0, s3;
	s0 =	sld [smem:$0x3FAF]  }
0x30: {  	s3 =	sld [smem:$0x3FB2]  }
0x31: {  	[smem:$0x3FBB] =	sst s10  }
0x32: {  	s10 =	sld [smem:$0x3FB9];
	_ =	sdelay $0x3  }
0x33: {  	p0 =	seq.s32 s10, $0x1;
	s10 =	sld [smem:$0x3FBB];
	_ =	sdelay $0x3  }
0x34: {  	[smem:$0x3FBB] =	sst s10  }
0x35: {  	s10 =	sld [smem:$0x3FBA];
	_ =	sdelay $0x3  }
0x36: {  	p1 =	seq.s32 s10, $0x1;
	s10 =	sld [smem:$0x3FBB];
	_ =	sdelay $0x3  }
0x37: {  	[smem:$0x3FBB] =	sst s10  }
0x38: {  	s10 =	sld [smem:$0x3FBC]  }
0x39: {  	_ = 	snop;
	(pc) =	sbr.ind lr, $3  }
0x3a: {  	_ = 	snop  }
0x3b: {  	_ = 	snop  }
0x3c: {  	p2 =	seq.s32 s10, $0x1;
	s10 =	sld [smem:$0x3FBB]  }
0x3d: {  	_ =	shalt  }
0x3e: {  	_ =	shalt  }
0x3f: {  	_ =	shalt  }
0x40: {  	_ =	shalt  }
0x41: {  	_ =	shalt  }
0x42: {  	_ =	shalt  }
0x43: {  	_ =	shalt  }
0x44: {  	_ =	shalt  }
0x45: {  	_ =	shalt  }
0x46: {  	_ =	shalt  }
0x47: {  	_ =	shalt  }
0x48: {  	_ =	shalt  }
0x49: {  	_ =	shalt  }
0x4a: {  	_ =	shalt  }
0x4b: {  	_ =	shalt  }
0x4c: {  	_ =	shalt  }
0x4d: {  	_ =	shalt  }
0x4e: {  	_ =	shalt  }
0x4f: {  	_ =	shalt  }
0x50: {  	_ =	shalt  }
0x51: {  	_ =	shalt  }
0x52: {  	_ =	shalt  }
0x53: {  	_ =	shalt  }
0x54: {  	_ =	shalt  }
0x55: {  	_ =	shalt  }
0x56: {  	_ =	shalt  }
0x57: {  	_ =	shalt  }
0x58: {  	_ =	shalt  }
0x59: {  	_ =	shalt  }
0x5a: {  	_ =	shalt  }
0x5b: {  	_ =	shalt  }
0x5c: {  	_ =	shalt  }
0x5d: {  	_ =	shalt  }
0x5e: {  	_ =	shalt  }
0x5f: {  	_ =	shalt  }
0x60: {  	_ =	shalt  }
0x61: {  	_ =	shalt  }
0x62: {  	_ =	shalt  }
0x63: {  	_ =	shalt  }
0x64: {  	_ =	shalt  }
0x65: {  	_ =	shalt  }
0x66: {  	_ =	shalt  }
0x67: {  	_ =	shalt  }
0x68: {  	_ =	shalt  }
0x69: {  	_ =	shalt  }
0x6a: {  	_ =	shalt  }
0x6b: {  	_ =	shalt  }
0x6c: {  	_ =	shalt  }
0x6d: {  	_ =	shalt  }
0x6e: {  	_ =	shalt  }
0x6f: {  	_ =	shalt  }
0x70: {  	_ =	shalt  }
0x71: {  	_ =	shalt  }
0x72: {  	_ =	shalt  }
0x73: {  	_ =	shalt  }
0x74: {  	_ =	shalt  }
0x75: {  	_ =	shalt  }
0x76: {  	_ =	shalt  }
0x77: {  	_ =	shalt  }
0x78: {  	_ =	shalt  }
0x79: {  	_ =	shalt  }
0x7a: {  	_ =	shalt  }
0x7b: {  	_ =	shalt  }
0x7c: {  	_ =	shalt  }
0x7d: {  	_ =	shalt  }
0x7e: {  	_ =	shalt  }
0x7f: {  	_ =	shalt  }
0x80: {  	_ =	shalt  }
0x81: {  	_ =	shalt  }
0x82: {  	_ =	shalt  }
0x83: {  	_ =	shalt  }
0x84: {  	_ =	shalt  }
0x85: {  	_ =	shalt  }
0x86: {  	_ =	shalt  }
0x87: {  	_ =	shalt  }
.Lfunc_end0:
.L_simem_size_0:
called_computation.1_lowered:
.L_overlay_start_0:
0x88: {  	s2 =	sld [smem:$0x3FD9]  }
0x89: {  	s3 =	sld [smem:$0x3FFE];
	_ =	sdelay $0x1  }
0x8a: {  	s1 =	srdreg.scid  }
0x8b: {  	s0 =	sand.u32 $0x1, s1  }
0x8c: {  	s18 =	sshll.u32 s0, $0xA;
	s2 =	sadd.s32 s3, s2  }
0x8d: {  	s2 =	sadd.s32 s2, s18  }
0x8e: {  	[smem:$0x3FC7] =	sst s2  }
0x8f: {  	_ = 	snop  }
0x90: {  	s2 =	sld [smem:$0x3FC9]  }
0x91: {  	s19 =	sld [smem:$0x3FD0];
	(tm) =	ssettm $0x1  }
0x92: {  	s4 =	sld [smem:$0x3FFB];
	_ =	sdelay $0x3  }
0x93: {  	_ =	strace s4  }
0x94: {  	s4 =	sld [smem:$0x3FFC];
	_ =	sdelay $0x3  }
0x95: {  	_ =	strace s4  }
0x96: {  	s4 =	sld [smem:$0x3FFD];
	_ =	sdelay $0x3  }
0x97: {  	_ =	strace s4  }
0x98: {  	_ =	strace $0x8FFFFFFF  }
0x99: {  	s20 =	sld [smem:$0x3FDB];
	_ =	sdelay $0x1  }
0x9a: {  	s5 =	simm.s32 $_scs_section_size  }
0x9b: {  	s6 =	simm.s32 $_size__tile_overlayer_lowered;
	s7 =	simm.s32 $_tile_overlayer_lowered  }
0x9c: {  	s23 =	simm.s32 $0x1BFF;
	s22 =	sshll.u32 s7, $0x1;
	s4 =	sadd.s32 s5, s20  }
0x9d: {  	s8 =	simm.s32 $0x0;
	s21 =	sshll.u32 s6, $0x1;
	s6 =	sadd.s32 s22, s4  }
0x9e: {  	[timem:s8], [sflag:s23] =	dma.local [hbm:s6], s21  }
0x9f: {  	_ =	swait.ge [sflag:s23], s21  }
0xa0: {  	s5 =	ssub.s32 $0x0, s21;
	[sflag:s23] =	ssyncset.done $0x0  }
0xa1: {  	[sflag:s23] =	ssyncadd.s32 s5;
	_ =	sdelay $0x1  }
0xa2: {  	s24 =	simm.s32 $0x1B8B  }
0xa3: {  	_ =	swait.ge [sflag:s24], $0x1  }
0xa4: {  	[sflag:s24] =	ssyncset.done $0x0  }
0xa5: {  	s25 =	simm.s32 $0x1B8E;
	[sflag:s24] =	ssyncadd.s32 $0xFFFFFFFF  }
0xa6: {  	s26 =	simm.s32 $execute0_lowered;
	[smem:$0x3FD2] =	sst s25  }
0xa7: {  	s5 =	sshll.u32 s26, $0x1;
	_ =	strace $0x80000046;
	[dreg:$0x1] =	wrdreg $0xFFFFFFFF  }
0xa8: {  	s28 =	simm.s32 $_size_execute0_lowered;
	s4 =	sadd.s32 s4, s5;
	[dreg:$0x0] =	wrdreg $0x0  }
0xa9: {  	s5 =	sshll.u32 s28, $0x1;
	[dreg:$0x2] =	wrdreg s4  }
0xaa: {  	[dreg:$0x3] =	wrdreg s5  }
0xab: {  	[dreg:$0x4] =	wrdreg $0xC0  }
0xac: {  	_ =	task [dreg:s8], $0x5FFFF  }
0xad: {  	[dreg:$0x1] =	wrdreg $0xFFFFFFFF  }
0xae: {  	[dreg:$0x0] =	wrdreg $0x60  }
0xaf: {  	[dreg:$0x2] =	wrdreg s2  }
0xb0: {  	[dreg:$0x3] =	wrdreg s19  }
0xb1: {  	[dreg:$0x4] =	wrdreg $0x9  }
0xb2: {  	_ =	task.clear_ibuf [dreg:s8], $0x5FFFF;
	_ =	strace $0x90000046  }
0xb3: {  	s29 =	simm.s32 $0x9;
	_ =	strace $0x80000048  }
0xb4: {  	_ =	swait.ge [sflag:s29], $0x1  }
0xb5: {  	[sflag:s29] =	ssyncadd.s32 $0xFFFFFFFF  }
0xb6: {  	_ =	strace $0x90000048  }
0xb7: {  	_ =	sfence  }
0xb8: {  	s30 =	sld [smem:$0x0];
	_ =	sdelay $0x2  }
0xb9: {  	s31 =	sshll.u32 s1, $0xD;
	s1 =	sshrl.u32 s1, $0x2  }
0xba: {  	s3 =	sand.u32 $0x4000, s31;
	s1 =	sadd.s32 s1, s30  }
0xbb: {  	s0 =	sor.u32 s3, s0;
	s1 =	sshll.u32 s1, $0x11  }
0xbc: {  	s0 =	sor.u32 s1, s0  }
0xbd: {  	s0 =	sadd.s32 $0x8F2B, s0  }
0xbe: {  	[sflag:s0] =	ssyncadd.remote.s32 $0x1  }
0xbf: {  	_ =	sfence.sel $0xFFFF  }
0xc0: {  	[dreg:$0x0] =	wrdreg $0xFFFFFFFF;
	(pc) =	sbr.abs _section_cstart, $3  }
0xc1: {  	[dreg:$0x1] =	wrdreg $0xFFFFFFFF  }
0xc2: {  	_ =	task.clear_ibuf [dreg:s8], $0x2FFFF;
	_ =	strace $0x9FFFFFFF  }
0xc3: {  	(tm) =	ssettm $0x7FFFFFFF  }
tec
execute0_lowered:
.L_overlay_start_1:
0x0: {  	(tag) =	ssettag $0x1  }
0x1: {  	s3 =	rddreg [dreg:$0x0];
	s1 =	srdreg.scid  }
0x2: {  	s0 =	stileid.u32;
	s4 =	rddreg [dreg:$0x1]  }
0x3: {  	s2 =	simm.s32 $0x0;
	s21 =	simm.s32 $0x3;
	s22 =	simm.s32 $0x200  }
0x4: {  	s23 =	simm.s32 $0x7F00;
	s24 =	simm.s32 $0x1;
	s25 =	simm.s32 $0x2  }
0x5: {  	s5 =	sand.u32 $0x1, s1;
	s6 =	sshll.u32 s0, $0x1;
	s1 =	rddreg [dreg:$0x2]  }
0x6: {  	s26 =	simm.s32 $0x0;
	[smem:$0x7FF] =	sst s2;
	s6 =	sor.u32 s5, s6  }
0x7: {  	_ =	strace $0x80000047;
	s5 =	ssub.s32 $0x2, s5;
	s7 =	smul.u32 $0x7D000, s6  }
0x8: {  	s8 =	sshrl.u32 s5, $0x1;
	s9 =	smul.u32 $0xFA00, s6;
	s31 =	sshll.u32 s6, $0x6  }
0x9: {  	s20 =	ssub.s32 s5, s8;
	s3 =	sadd.s32 s3, s31;
	s7 =	sshrl.u32 s7, $0x3  }
0xa: {  	s20 =	smax.u32 s20, $0x1;
	s19 =	sadd.s32 s4, s7;
	s4 =	sadd.s32 s4, s9  }
0xb: {  	s5 =	sadd.s32 $0xFA0, s19;
	s6 =	sadd.s32 $0x1F40, s19;
	s7 =	sadd.s32 $0x2EE0, s19  }
0xc: {  	v0 =	vlaneseq.u32;
	s8 =	sadd.s32 $0x3E80, s19;
	s9 =	sadd.s32 $0x4E20, s19;
	s10 =	sadd.s32 $0x5DC0, s19  }
0xd: {  	v0 =	vmul.u32 $0x3E8, v0;
	s11 =	sadd.s32 $0x6D60, s19;
	s12 =	sadd.s32 $0x7D00, s19;
	s13 =	sadd.s32 $0x8CA0, s19  }
0xe: {  	s14 =	sadd.s32 $0x9C40, s19;
	s15 =	sadd.s32 $0xABE0, s19;
	s16 =	sadd.s32 $0xBB80, s19  }
0xf: {  	v1 =	vimm.f32 $0.0e+00;
	v3 =	vimm.f32 $1.000000000e+00;
	v2 =	vadd.s32 $0x3E80, v0;
	s17 =	sadd.s32 $0xCB20, s19;
	s18 =	sadd.s32 $0xDAC0, s19;
	s19 =	sadd.s32 $0xEA60, s19  }
.LBB2_1:
0x10: {  	[tilespmem:s2], [sflag:$0x3] =	stream.linear.gather [hbm4b:s3+s2], $0x200, $0x38;
	[tilespmem:$0xFC00] =	vst v63  }
0x11: {  	_ =	swait.ge [sflag:s21], $0x200  }
0x12: {  	[sflag:s21] =	ssyncset.done $0x0  }
0x13: {  	s29 =	simm.s32 $0x240;
	[sflag:s21] =	ssyncadd.s32 $0xFFFFFE00  }
0x14: {  	s28 =	simm.s32 $0x7F40;
	[tilespmem:s29+$0xFFFFFFC0] =	vst v1  }
0x15: {  	[tilespmem:s28+$0xFFFFFFC0] =	vst v1  }
0x16: {  	[tilespmem:s29+$0xFFFFFFD0] =	vst v1  }
0x17: {  	[tilespmem:s28+$0xFFFFFFD0] =	vst v1  }
0x18: {  	[tilespmem:s29+$0xFFFFFFE0] =	vst v1  }
0x19: {  	[tilespmem:s28+$0xFFFFFFE0] =	vst v1  }
0x1a: {  	[tilespmem:s29+$0xFFFFFFF0] =	vst v1  }
0x1b: {  	[tilespmem:s28+$0xFFFFFFF0] =	vst v1  }
0x1c: {  	[tilespmem:s29+$0x0] =	vst v1  }
0x1d: {  	[tilespmem:s28+$0x0] =	vst v1  }
0x1e: {  	[tilespmem:s29+$0x10] =	vst v1  }
0x1f: {  	[tilespmem:s28+$0x10] =	vst v1  }
0x20: {  	[tilespmem:s29+$0x20] =	vst v1  }
0x21: {  	[tilespmem:s28+$0x20] =	vst v1  }
0x22: {  	[tilespmem:s29+$0x30] =	vst v1  }
0x23: {  	s30 =	simm.s32 $0x2C0;
	s29 =	simm.s32 $0x0;
	[tilespmem:s28+$0x30] =	vst v1  }
.LBB2_2:
0x24: {  	[tilespmem:s30+$0xFFFFFFC0] =	vst v1;
	s28 =	sadd.s32 $0x80, s28  }
0x25: {  	[tilespmem:s28+$0xFFFFFFC0] =	vst v1  }
0x26: {  	[tilespmem:s30+$0xFFFFFFD0] =	vst v1  }
0x27: {  	[tilespmem:s28+$0xFFFFFFD0] =	vst v1  }
0x28: {  	[tilespmem:s30+$0xFFFFFFE0] =	vst v1  }
0x29: {  	[tilespmem:s28+$0xFFFFFFE0] =	vst v1  }
0x2a: {  	[tilespmem:s30+$0xFFFFFFF0] =	vst v1  }
0x2b: {  	[tilespmem:s28+$0xFFFFFFF0] =	vst v1  }
0x2c: {  	[tilespmem:s30+$0x0] =	vst v1  }
0x2d: {  	s29 =	sadd.s32 $0x8, s29;
	[tilespmem:s28+$0x0] =	vst v1  }
0x2e: {  	p0 =	slt.u32 s29, $0x7C8;
	[tilespmem:s30+$0x10] =	vst v1  }
.Ltmp0:
0x2f: {  	[tilespmem:s28+$0x10] =	vst v1;
	(pc) =	sbr.rel @p0 .LBB2_2-.Ltmp0, $4  }
0x30: {  	[tilespmem:s30+$0x20] =	vst v1  }
0x31: {  	[tilespmem:s28+$0x20] =	vst v1  }
0x32: {  	[tilespmem:s30+$0x30] =	vst v1  }
0x33: {  	s30 =	sadd.s32 $0x80, s30;
	[tilespmem:s28+$0x30] =	vst v1  }
0x34: {  	v4 =	vld [tilespmem:$0x0]  }
0x35: {  	v5 =	vld [tilespmem:$0x10];
	_ =	sdelay $0x3  }
0x36: {  	v4 =	vadd.s32 v0, v4  }
0x37: {  	v5 =	vadd.s32 v2, v5;
	_ =	sdelay $0x3  }
0x38: {  	[tilespmem:v4+s22+$0x0] =	vst.idx.msk $0xffff, v3  }
0x39: {  	[tilespmem:v5+s22+$0x0] =	vst.idx.msk $0xffff, v3  }
0x3a: {  	[hbm4b:s4+s2] =	stream.linear.scatter [tilespmem:s22], [sflag:$0x1], $0x7D00, $0x38;
	[tilespmem:$0xFC00] =	vst v63  }
0x3b: {  	v6 =	vld [tilespmem:$0x20]  }
0x3c: {  	v7 =	vld [tilespmem:$0x30];
	_ =	sdelay $0x3  }
0x3d: {  	v6 =	vadd.s32 v0, v6  }
0x3e: {  	v7 =	vadd.s32 v2, v7;
	_ =	sdelay $0x3  }
0x3f: {  	[tilespmem:v6+s23+$0x0] =	vst.idx.msk $0xffff, v3  }
0x40: {  	[tilespmem:v7+s23+$0x0] =	vst.idx.msk $0xffff, v3  }
0x41: {  	[hbm4b:s5+s2] =	stream.linear.scatter [tilespmem:s23], [sflag:$0x2], $0x7D00, $0x38;
	[tilespmem:$0xFC00] =	vst v63  }
0x42: {  	_ =	swait.ge [sflag:s24], $0x7D00  }
0x43: {  	[sflag:s24] =	ssyncset.done $0x0  }
0x44: {  	[sflag:s24] =	ssyncadd.s32 $0xFFFF8300  }
0x45: {  	[tilespmem:v4+s22+$0x0] =	vst.idx.msk $0xffff, v1  }
0x46: {  	[tilespmem:v5+s22+$0x0] =	vst.idx.msk $0xffff, v1  }
0x47: {  	v4 =	vld [tilespmem:$0x40]  }
0x48: {  	v5 =	vld [tilespmem:$0x50];
	_ =	sdelay $0x3  }
0x49: {  	v4 =	vadd.s32 v0, v4  }
0x4a: {  	v5 =	vadd.s32 v2, v5;
	_ =	sdelay $0x3  }
0x4b: {  	[tilespmem:v4+s22+$0x0] =	vst.idx.msk $0xffff, v3  }
0x4c: {  	[tilespmem:v5+s22+$0x0] =	vst.idx.msk $0xffff, v3  }
0x4d: {  	[hbm4b:s6+s2] =	stream.linear.scatter [tilespmem:s22], [sflag:$0x1], $0x7D00, $0x38;
	[tilespmem:$0xFC00] =	vst v63  }
0x4e: {  	_ =	swait.ge [sflag:s25], $0x7D00  }
0x4f: {  	[sflag:s25] =	ssyncset.done $0x0  }
0x50: {  	[sflag:s25] =	ssyncadd.s32 $0xFFFF8300  }
0x51: {  	[tilespmem:v6+s23+$0x0] =	vst.idx.msk $0xffff, v1  }
0x52: {  	[tilespmem:v7+s23+$0x0] =	vst.idx.msk $0xffff, v1  }
0x53: {  	v6 =	vld [tilespmem:$0x60]  }
0x54: {  	v7 =	vld [tilespmem:$0x70];
	_ =	sdelay $0x3  }
0x55: {  	v6 =	vadd.s32 v0, v6  }
0x56: {  	v7 =	vadd.s32 v2, v7;
	_ =	sdelay $0x3  }
0x57: {  	[tilespmem:v6+s23+$0x0] =	vst.idx.msk $0xffff, v3  }
0x58: {  	[tilespmem:v7+s23+$0x0] =	vst.idx.msk $0xffff, v3  }
0x59: {  	[hbm4b:s7+s2] =	stream.linear.scatter [tilespmem:s23], [sflag:$0x2], $0x7D00, $0x38;
	[tilespmem:$0xFC00] =	vst v63  }
0x5a: {  	_ =	swait.ge [sflag:s24], $0x7D00  }
0x5b: {  	[sflag:s24] =	ssyncset.done $0x0  }
0x5c: {  	[sflag:s24] =	ssyncadd.s32 $0xFFFF8300  }
0x5d: {  	[tilespmem:v4+s22+$0x0] =	vst.idx.msk $0xffff, v1  }
0x5e: {  	[tilespmem:v5+s22+$0x0] =	vst.idx.msk $0xffff, v1  }
0x5f: {  	v4 =	vld [tilespmem:$0x80]  }
0x60: {  	v5 =	vld [tilespmem:$0x90];
	_ =	sdelay $0x3  }
0x61: {  	v4 =	vadd.s32 v0, v4  }
0x62: {  	v5 =	vadd.s32 v2, v5;
	_ =	sdelay $0x3  }
0x63: {  	[tilespmem:v4+s22+$0x0] =	vst.idx.msk $0xffff, v3  }
0x64: {  	[tilespmem:v5+s22+$0x0] =	vst.idx.msk $0xffff, v3  }
0x65: {  	[hbm4b:s8+s2] =	stream.linear.scatter [tilespmem:s22], [sflag:$0x1], $0x7D00, $0x38;
	[tilespmem:$0xFC00] =	vst v63  }
0x66: {  	_ =	swait.ge [sflag:s25], $0x7D00  }
0x67: {  	[sflag:s25] =	ssyncset.done $0x0  }
0x68: {  	[sflag:s25] =	ssyncadd.s32 $0xFFFF8300  }
0x69: {  	[tilespmem:v6+s23+$0x0] =	vst.idx.msk $0xffff, v1  }
0x6a: {  	[tilespmem:v7+s23+$0x0] =	vst.idx.msk $0xffff, v1  }
0x6b: {  	v6 =	vld [tilespmem:$0xA0]  }
0x6c: {  	v7 =	vld [tilespmem:$0xB0];
	_ =	sdelay $0x3  }
0x6d: {  	v6 =	vadd.s32 v0, v6  }
0x6e: {  	v7 =	vadd.s32 v2, v7;
	_ =	sdelay $0x3  }
0x6f: {  	[tilespmem:v6+s23+$0x0] =	vst.idx.msk $0xffff, v3  }
0x70: {  	[tilespmem:v7+s23+$0x0] =	vst.idx.msk $0xffff, v3  }
0x71: {  	[hbm4b:s9+s2] =	stream.linear.scatter [tilespmem:s23], [sflag:$0x2], $0x7D00, $0x38;
	[tilespmem:$0xFC00] =	vst v63  }
0x72: {  	_ =	swait.ge [sflag:s24], $0x7D00  }
0x73: {  	[sflag:s24] =	ssyncset.done $0x0  }
0x74: {  	[sflag:s24] =	ssyncadd.s32 $0xFFFF8300  }
0x75: {  	[tilespmem:v4+s22+$0x0] =	vst.idx.msk $0xffff, v1  }
0x76: {  	[tilespmem:v5+s22+$0x0] =	vst.idx.msk $0xffff, v1  }
0x77: {  	v4 =	vld [tilespmem:$0xC0]  }
0x78: {  	v5 =	vld [tilespmem:$0xD0];
	_ =	sdelay $0x3  }
0x79: {  	v4 =	vadd.s32 v0, v4  }
0x7a: {  	v5 =	vadd.s32 v2, v5;
	_ =	sdelay $0x3  }
0x7b: {  	[tilespmem:v4+s22+$0x0] =	vst.idx.msk $0xffff, v3  }
0x7c: {  	[tilespmem:v5+s22+$0x0] =	vst.idx.msk $0xffff, v3  }
0x7d: {  	[hbm4b:s10+s2] =	stream.linear.scatter [tilespmem:s22], [sflag:$0x1], $0x7D00, $0x38;
	[tilespmem:$0xFC00] =	vst v63  }
0x7e: {  	_ =	swait.ge [sflag:s25], $0x7D00  }
0x7f: {  	[sflag:s25] =	ssyncset.done $0x0  }
0x80: {  	[sflag:s25] =	ssyncadd.s32 $0xFFFF8300  }
0x81: {  	[tilespmem:v6+s23+$0x0] =	vst.idx.msk $0xffff, v1  }
0x82: {  	[tilespmem:v7+s23+$0x0] =	vst.idx.msk $0xffff, v1  }
0x83: {  	v6 =	vld [tilespmem:$0xE0]  }
0x84: {  	v7 =	vld [tilespmem:$0xF0];
	_ =	sdelay $0x3  }
0x85: {  	v6 =	vadd.s32 v0, v6  }
0x86: {  	v7 =	vadd.s32 v2, v7;
	_ =	sdelay $0x3  }
0x87: {  	[tilespmem:v6+s23+$0x0] =	vst.idx.msk $0xffff, v3  }
0x88: {  	[tilespmem:v7+s23+$0x0] =	vst.idx.msk $0xffff, v3  }
0x89: {  	[hbm4b:s11+s2] =	stream.linear.scatter [tilespmem:s23], [sflag:$0x2], $0x7D00, $0x38;
	[tilespmem:$0xFC00] =	vst v63  }
0x8a: {  	_ =	swait.ge [sflag:s24], $0x7D00  }
0x8b: {  	[sflag:s24] =	ssyncset.done $0x0  }
0x8c: {  	[sflag:s24] =	ssyncadd.s32 $0xFFFF8300  }
0x8d: {  	[tilespmem:v4+s22+$0x0] =	vst.idx.msk $0xffff, v1  }
0x8e: {  	[tilespmem:v5+s22+$0x0] =	vst.idx.msk $0xffff, v1  }
0x8f: {  	v4 =	vld [tilespmem:$0x100]  }
0x90: {  	v5 =	vld [tilespmem:$0x110];
	_ =	sdelay $0x3  }
0x91: {  	v4 =	vadd.s32 v0, v4  }
0x92: {  	v5 =	vadd.s32 v2, v5;
	_ =	sdelay $0x3  }
0x93: {  	[tilespmem:v4+s22+$0x0] =	vst.idx.msk $0xffff, v3  }
0x94: {  	[tilespmem:v5+s22+$0x0] =	vst.idx.msk $0xffff, v3  }
0x95: {  	[hbm4b:s12+s2] =	stream.linear.scatter [tilespmem:s22], [sflag:$0x1], $0x7D00, $0x38;
	[tilespmem:$0xFC00] =	vst v63  }
0x96: {  	_ =	swait.ge [sflag:s25], $0x7D00  }
0x97: {  	[sflag:s25] =	ssyncset.done $0x0  }
0x98: {  	[sflag:s25] =	ssyncadd.s32 $0xFFFF8300  }
0x99: {  	[tilespmem:v6+s23+$0x0] =	vst.idx.msk $0xffff, v1  }
0x9a: {  	[tilespmem:v7+s23+$0x0] =	vst.idx.msk $0xffff, v1  }
0x9b: {  	v6 =	vld [tilespmem:$0x120]  }
0x9c: {  	v7 =	vld [tilespmem:$0x130];
	_ =	sdelay $0x3  }
0x9d: {  	v6 =	vadd.s32 v0, v6  }
0x9e: {  	v7 =	vadd.s32 v2, v7;
	_ =	sdelay $0x3  }
0x9f: {  	[tilespmem:v6+s23+$0x0] =	vst.idx.msk $0xffff, v3  }
0xa0: {  	[tilespmem:v7+s23+$0x0] =	vst.idx.msk $0xffff, v3  }
0xa1: {  	[hbm4b:s13+s2] =	stream.linear.scatter [tilespmem:s23], [sflag:$0x2], $0x7D00, $0x38;
	[tilespmem:$0xFC00] =	vst v63  }
0xa2: {  	_ =	swait.ge [sflag:s24], $0x7D00  }
0xa3: {  	[sflag:s24] =	ssyncset.done $0x0  }
0xa4: {  	[sflag:s24] =	ssyncadd.s32 $0xFFFF8300  }
0xa5: {  	[tilespmem:v4+s22+$0x0] =	vst.idx.msk $0xffff, v1  }
0xa6: {  	[tilespmem:v5+s22+$0x0] =	vst.idx.msk $0xffff, v1  }
0xa7: {  	v4 =	vld [tilespmem:$0x140]  }
0xa8: {  	v5 =	vld [tilespmem:$0x150];
	_ =	sdelay $0x3  }
0xa9: {  	v4 =	vadd.s32 v0, v4  }
0xaa: {  	v5 =	vadd.s32 v2, v5;
	_ =	sdelay $0x3  }
0xab: {  	[tilespmem:v4+s22+$0x0] =	vst.idx.msk $0xffff, v3  }
0xac: {  	[tilespmem:v5+s22+$0x0] =	vst.idx.msk $0xffff, v3  }
0xad: {  	[hbm4b:s14+s2] =	stream.linear.scatter [tilespmem:s22], [sflag:$0x1], $0x7D00, $0x38;
	[tilespmem:$0xFC00] =	vst v63  }
0xae: {  	_ =	swait.ge [sflag:s25], $0x7D00  }
0xaf: {  	[sflag:s25] =	ssyncset.done $0x0  }
0xb0: {  	[sflag:s25] =	ssyncadd.s32 $0xFFFF8300  }
0xb1: {  	[tilespmem:v6+s23+$0x0] =	vst.idx.msk $0xffff, v1  }
0xb2: {  	[tilespmem:v7+s23+$0x0] =	vst.idx.msk $0xffff, v1  }
0xb3: {  	v6 =	vld [tilespmem:$0x160]  }
0xb4: {  	v7 =	vld [tilespmem:$0x170];
	_ =	sdelay $0x3  }
0xb5: {  	v6 =	vadd.s32 v0, v6  }
0xb6: {  	v7 =	vadd.s32 v2, v7;
	_ =	sdelay $0x3  }
0xb7: {  	[tilespmem:v6+s23+$0x0] =	vst.idx.msk $0xffff, v3  }
0xb8: {  	[tilespmem:v7+s23+$0x0] =	vst.idx.msk $0xffff, v3  }
0xb9: {  	[hbm4b:s15+s2] =	stream.linear.scatter [tilespmem:s23], [sflag:$0x2], $0x7D00, $0x38;
	[tilespmem:$0xFC00] =	vst v63  }
0xba: {  	_ =	swait.ge [sflag:s24], $0x7D00  }
0xbb: {  	[sflag:s24] =	ssyncset.done $0x0  }
0xbc: {  	[sflag:s24] =	ssyncadd.s32 $0xFFFF8300  }
0xbd: {  	[tilespmem:v4+s22+$0x0] =	vst.idx.msk $0xffff, v1  }
0xbe: {  	[tilespmem:v5+s22+$0x0] =	vst.idx.msk $0xffff, v1  }
0xbf: {  	v4 =	vld [tilespmem:$0x180]  }
0xc0: {  	v5 =	vld [tilespmem:$0x190];
	_ =	sdelay $0x3  }
0xc1: {  	v4 =	vadd.s32 v0, v4  }
0xc2: {  	v5 =	vadd.s32 v2, v5;
	_ =	sdelay $0x3  }
0xc3: {  	[tilespmem:v4+s22+$0x0] =	vst.idx.msk $0xffff, v3  }
0xc4: {  	[tilespmem:v5+s22+$0x0] =	vst.idx.msk $0xffff, v3  }
0xc5: {  	[hbm4b:s16+s2] =	stream.linear.scatter [tilespmem:s22], [sflag:$0x1], $0x7D00, $0x38;
	[tilespmem:$0xFC00] =	vst v63  }
0xc6: {  	_ =	swait.ge [sflag:s25], $0x7D00  }
0xc7: {  	[sflag:s25] =	ssyncset.done $0x0  }
0xc8: {  	[sflag:s25] =	ssyncadd.s32 $0xFFFF8300  }
0xc9: {  	[tilespmem:v6+s23+$0x0] =	vst.idx.msk $0xffff, v1  }
0xca: {  	[tilespmem:v7+s23+$0x0] =	vst.idx.msk $0xffff, v1  }
0xcb: {  	v6 =	vld [tilespmem:$0x1A0]  }
0xcc: {  	v7 =	vld [tilespmem:$0x1B0];
	_ =	sdelay $0x3  }
0xcd: {  	v6 =	vadd.s32 v0, v6  }
0xce: {  	v7 =	vadd.s32 v2, v7;
	_ =	sdelay $0x3  }
0xcf: {  	[tilespmem:v6+s23+$0x0] =	vst.idx.msk $0xffff, v3  }
0xd0: {  	[tilespmem:v7+s23+$0x0] =	vst.idx.msk $0xffff, v3  }
0xd1: {  	[hbm4b:s17+s2] =	stream.linear.scatter [tilespmem:s23], [sflag:$0x2], $0x7D00, $0x38;
	[tilespmem:$0xFC00] =	vst v63  }
0xd2: {  	_ =	swait.ge [sflag:s24], $0x7D00  }
0xd3: {  	[sflag:s24] =	ssyncset.done $0x0  }
0xd4: {  	[sflag:s24] =	ssyncadd.s32 $0xFFFF8300  }
0xd5: {  	[tilespmem:v4+s22+$0x0] =	vst.idx.msk $0xffff, v1  }
0xd6: {  	[tilespmem:v5+s22+$0x0] =	vst.idx.msk $0xffff, v1  }
0xd7: {  	v4 =	vld [tilespmem:$0x1C0]  }
0xd8: {  	v5 =	vld [tilespmem:$0x1D0];
	_ =	sdelay $0x3  }
0xd9: {  	v4 =	vadd.s32 v0, v4  }
0xda: {  	v5 =	vadd.s32 v2, v5;
	_ =	sdelay $0x3  }
0xdb: {  	[tilespmem:v4+s22+$0x0] =	vst.idx.msk $0xffff, v3  }
0xdc: {  	[tilespmem:v5+s22+$0x0] =	vst.idx.msk $0xffff, v3  }
0xdd: {  	[hbm4b:s18+s2] =	stream.linear.scatter [tilespmem:s22], [sflag:$0x1], $0x7D00, $0x38;
	[tilespmem:$0xFC00] =	vst v63  }
0xde: {  	_ =	swait.ge [sflag:s25], $0x7D00  }
0xdf: {  	[sflag:s25] =	ssyncset.done $0x0  }
0xe0: {  	[sflag:s25] =	ssyncadd.s32 $0xFFFF8300  }
0xe1: {  	[tilespmem:v6+s23+$0x0] =	vst.idx.msk $0xffff, v1  }
0xe2: {  	[tilespmem:v7+s23+$0x0] =	vst.idx.msk $0xffff, v1  }
0xe3: {  	v4 =	vld [tilespmem:$0x1E0]  }
0xe4: {  	v5 =	vld [tilespmem:$0x1F0];
	_ =	sdelay $0x3  }
0xe5: {  	v4 =	vadd.s32 v0, v4  }
0xe6: {  	v5 =	vadd.s32 v2, v5;
	_ =	sdelay $0x3  }
0xe7: {  	[tilespmem:v4+s23+$0x0] =	vst.idx.msk $0xffff, v3  }
0xe8: {  	s26 =	sadd.s32 $0x1, s26;
	[tilespmem:v5+s23+$0x0] =	vst.idx.msk $0xffff, v3  }
0xe9: {  	[hbm4b:s19+s2] =	stream.linear.scatter [tilespmem:s23], [sflag:$0x2], $0x7D00, $0x38;
	[tilespmem:$0xFC00] =	vst v63  }
0xea: {  	p0 =	sne.s32 s26, s20;
	_ =	swait.ge [sflag:s24], $0x7D00  }
.Ltmp1:
0xeb: {  	[sflag:s24] =	ssyncset.done $0x0;
	(pc) =	sbr.rel @p0 .LBB2_1-.Ltmp1, $4  }
0xec: {  	[sflag:s24] =	ssyncadd.s32 $0xFFFF8300  }
0xed: {  	_ =	swait.ge [sflag:s25], $0x7D00  }
0xee: {  	[sflag:s25] =	ssyncset.done $0x0  }
0xef: {  	[sflag:s25] =	ssyncadd.s32 $0xFFFF8300  }
0xf0: {  	_ =	sfence.sel $0x180000  }
0xf1: {  	[bflag:$0x0] =	sbarrier.arrive $0xFFFF  }
0xf2: {  	p0 =	sne.s32 s0, $0x0;
	_ =	strace $0x90000047  }
0xf3: {  	s0 =	sadd.s32 @!p0 $0x100000, s1;
	[bflag:$0x2] =	sbarrier.arrive $0xFFFF  }
0xf4: {  	[sflag:s0] =	ssyncadd.tile.s32 @!p0 $0x1;
	_ =	shalt  }
.Lfunc_end2:
_tile_overlayer_lowered:
.L_overlay_start_2:
0xf5: {  	(tag) =	ssettag $0x2  }
0xf6: {  	s0 =	rddreg [dreg:$0x0];
	s2 =	stileid.u32  }
0xf7: {  	s1 =	rddreg [dreg:$0x1];
	p0 =	sne.s32 s2, $0x0  }
0xf8: {  	s3 =	rddreg [dreg:$0x2];
	[bflag:$0x3] =	sbarrier.arrive $0xFFFF;
	s2 =	simm.s32 @!p0 $0x1C03  }
0xf9: {  	[timem:s3], [sflag:s2] =	dma.local @!p0 [hbm:s0], s1  }
0xfa: {  	s0 =	simm.s32 @!p0 $0x3  }
0xfb: {  	_ =	swait.ge @!p0 [sflag:s0], s1  }
0xfc: {  	s1 =	ssub.s32 @!p0 $0x0, s1;
	[sflag:s0] =	ssyncset.done @!p0 $0x0  }
0xfd: {  	[sflag:s0] =	ssyncadd.s32 @!p0 s1  }
0xfe: {  	[bflag:$0x3] =	sbarrier.arrive $0xFFFF  }
0xff: {  	_ =	shalt  }

// kernel: sparse-core-data-format-call.cloned.1.call-start
scs
called_computation_lowered:
.L_overlay_start_0:
0x0: {  	s2 =	sld [smem:$0x3FD9]  }
0x1: {  	s3 =	sld [smem:$0x3FFE];
	_ =	sdelay $0x1  }
0x2: {  	s1 =	srdreg.scid  }
0x3: {  	s0 =	sand.u32 $0x1, s1  }
0x4: {  	s18 =	sshll.u32 s0, $0xA;
	s2 =	sadd.s32 s3, s2  }
0x5: {  	s2 =	sadd.s32 s2, s18  }
0x6: {  	[smem:$0x3FC7] =	sst s2  }
0x7: {  	_ = 	snop  }
0x8: {  	s2 =	sld [smem:$0x3FD0];
	(tm) =	ssettm $0x1  }
0x9: {  	s19 =	sld [smem:$0x3FFB];
	_ =	sdelay $0x3  }
0xa: {  	_ =	strace s19  }
0xb: {  	s3 =	sld [smem:$0x3FFC];
	_ =	sdelay $0x3  }
0xc: {  	_ =	strace s3  }
0xd: {  	s3 =	sld [smem:$0x3FFD];
	_ =	sdelay $0x3  }
0xe: {  	_ =	strace s3  }
0xf: {  	_ =	strace $0x8FFFFFFF  }
0x10: {  	s20 =	sld [smem:$0x3FDB];
	_ =	sdelay $0x1  }
0x11: {  	s4 =	simm.s32 $_scs_section_size  }
0x12: {  	s5 =	simm.s32 $_size__tile_overlayer_lowered;
	s6 =	simm.s32 $_tile_overlayer_lowered  }
0x13: {  	s23 =	simm.s32 $0x1BFF;
	s22 =	sshll.u32 s6, $0x1;
	s3 =	sadd.s32 s4, s20  }
0x14: {  	s7 =	simm.s32 $0x0;
	s21 =	sshll.u32 s5, $0x1;
	s5 =	sadd.s32 s22, s3  }
0x15: {  	[timem:s7], [sflag:s23] =	dma.local [hbm:s5], s21  }
0x16: {  	_ =	swait.ge [sflag:s23], s21  }
0x17: {  	s4 =	ssub.s32 $0x0, s21;
	[sflag:s23] =	ssyncset.done $0x0  }
0x18: {  	[sflag:s23] =	ssyncadd.s32 s4;
	_ =	sdelay $0x1  }
0x19: {  	s24 =	simm.s32 $0x1B8B  }
0x1a: {  	_ =	swait.ge [sflag:s24], $0x1  }
0x1b: {  	[sflag:s24] =	ssyncset.done $0x0  }
0x1c: {  	s26 =	simm.s32 $0x1B8E;
	s25 =	sld [smem:$0x3FFE];
	[sflag:s24] =	ssyncadd.s32 $0xFFFFFFFF  }
0x1d: {  	s27 =	simm.s32 $execute0_lowered;
	[smem:$0x3FD2] =	sst s26  }
0x1e: {  	s5 =	sshll.u32 s27, $0x1;
	_ =	strace $0x80000049;
	[dreg:$0x1] =	wrdreg $0xFFFFFFFF  }
0x1f: {  	s28 =	simm.s32 $_size_execute0_lowered;
	s3 =	sadd.s32 s3, s5;
	[dreg:$0x0] =	wrdreg $0x0  }
0x20: {  	s5 =	sshll.u32 s28, $0x1;
	[dreg:$0x2] =	wrdreg s3  }
0x21: {  	[dreg:$0x3] =	wrdreg s5  }
0x22: {  	[dreg:$0x4] =	wrdreg $0xC0  }
0x23: {  	_ =	task [dreg:s7], $0x5FFFF  }
0x24: {  	[dreg:$0x1] =	wrdreg $0xFFFFFFFF  }
0x25: {  	[dreg:$0x0] =	wrdreg $0x60  }
0x26: {  	[dreg:$0x2] =	wrdreg s25  }
0x27: {  	[dreg:$0x3] =	wrdreg s2  }
0x28: {  	[dreg:$0x4] =	wrdreg $0x9  }
0x29: {  	_ =	task.clear_ibuf [dreg:s7], $0x5FFFF;
	_ =	strace $0x90000049  }
0x2a: {  	s29 =	simm.s32 $0x9;
	_ =	strace $0x8000004B  }
0x2b: {  	_ =	swait.ge [sflag:s29], $0x1  }
0x2c: {  	[sflag:s29] =	ssyncadd.s32 $0xFFFFFFFF  }
0x2d: {  	_ =	strace $0x9000004B  }
0x2e: {  	_ =	sfence  }
0x2f: {  	s30 =	sld [smem:$0x0];
	_ =	sdelay $0x2  }
0x30: {  	s31 =	sshll.u32 s1, $0xD;
	s1 =	sshrl.u32 s1, $0x2  }
0x31: {  	s3 =	sand.u32 $0x4000, s31;
	s1 =	sadd.s32 s1, s30  }
0x32: {  	s0 =	sor.u32 s3, s0;
	s1 =	sshll.u32 s1, $0x11  }
0x33: {  	s0 =	sor.u32 s1, s0  }
0x34: {  	s0 =	sadd.s32 $0x8F2B, s0  }
0x35: {  	[sflag:s0] =	ssyncadd.remote.s32 $0x1  }
0x36: {  	_ =	sfence.sel $0xFFFF  }
0x37: {  	[dreg:$0x0] =	wrdreg $0xFFFFFFFF;
	(pc) =	sbr.abs _section_cstart, $3  }
0x38: {  	[dreg:$0x1] =	wrdreg $0xFFFFFFFF  }
0x39: {  	_ =	task.clear_ibuf [dreg:s7], $0x2FFFF;
	_ =	strace $0x9FFFFFFF  }
0x3a: {  	(tm) =	ssettm $0x7FFFFFFF  }
0x3b: {  	_ =	shalt  }
tec
execute0_lowered:
.L_overlay_start_1:
0x0: {  	(tag) =	ssettag $0x1  }
0x1: {  	s0 =	srdreg.scid;
	s5 =	rddreg [dreg:$0x0]  }
0x2: {  	s3 =	rddreg [dreg:$0x1];
	s1 =	sshll.u32 s0, $0x4  }
0x3: {  	s7 =	simm.s32 $0x1;
	s0 =	stileid.u32;
	s1 =	sand.u32 $0x10, s1  }
0x4: {  	s8 =	simm.s32 $0x2;
	s15 =	simm.s32 $0x0;
	s1 =	sor.u32 s0, s1  }
0x5: {  	s14 =	simm.s32 $0x0;
	s9 =	simm.s32 $0x0;
	s2 =	sshll.u32 s1, $0x7  }
0x6: {  	s10 =	simm.s32 $0x0;
	s11 =	simm.s32 $0x0;
	s6 =	ssub.s32 $0x4000, s2  }
0x7: {  	s13 =	simm.s32 $0x0;
	s5 =	sadd.s32 $0x800, s5;
	s4 =	sand.u32 $0xF80, s6  }
.Ltmp0:
0x8: {  	s1 =	rddreg [dreg:$0x2];
	p0 =	sne.s32 s4, $0x0;
	(pc) =	sbr.rel .LBB1_1-.Ltmp0, $4  }
0x9: {  	_ =	strace $0x8000004A;
	s6 =	sshrl.u32 s6, $0xC;
	s7 =	simm.s32 @!p0 $0x0  }
0xa: {  	s12 =	smov.u32 s2;
	s4 =	simm.s32 $0x1;
	s6 =	sadd.s32 s7, s6  }
0xb: {  	[sflag:s4] =	ssyncpa.u1 $0x0;
	p0 =	por $0x0, $0x0;
	s6 =	sshll.u32 s6, $0x3  }
0xc: {  	[sflag:s8] =	ssyncpa.u1 $0x0;
	s8 =	simm.s32 $0x20000;
	s7 =	sor.u32 $0x1, s6  }
.LBB1_4:
0xd: {  	s20 =	sshra.s32 s20, $0x2  }
0xe: {  	s28 =	sand.u32 $0x78, s10;
	s21 =	sshll.u32 s9, $0xE;
	s22 =	sshll.u32 s10, $0x3  }
0xf: {  	s24 =	sshll.u32 s9, $0x7;
	p1 =	sgt.s32 s9, $0x368;
	s30 =	sshra.s32 s9, $0x1F  }
0x10: {  	s26 =	sshra.s32 s10, $0x1F;
	s19 =	sadd.s32 s20, s19;
	s21 =	sand.u32 $0xFFFE0000, s21  }
0x11: {  	v5 =	vld [tilespmem:s17+$0xFFFFFFD0];
	[tilespmem:s18+$0x2040 ss:$0x81] =	vst.msk $0xffff, v4;
	s23 =	sand.u32 $0xFFFFFC00, s22;
	s29 =	sand.u32 $0x380, s24;
	s22 =	sand.u32 $0x3C00, s22  }
0x12: {  	v58 =	vld [tilespmem:s17+$0xFFFFFFE0];
	[tilespmem:s18+$0x2850 ss:$0x81] =	vst.msk $0xffff, v3;
	s21 =	sadd.s32 s23, s21;
	s20 =	sor.u32 s28, s22;
	s22 =	smov.u32 s9  }
0x13: {  	v59 =	vld [tilespmem:s17+$0xFFFFFFF0];
	[tilespmem:s18+$0x3060 ss:$0x81] =	vst.msk $0xffff, v2;
	s24 =	sand.u32 s30, s9;
	s21 =	sshrl.u32 s21, $0xE;
	s22 =	simm.s32 @!p1 $0x368  }
0x14: {  	v60 =	vld [tilespmem:s17+$0x0];
	[tilespmem:s18+$0x0 ss:$0x81] =	vst.msk $0xffff, v1;
	p1 =	sgt.s32 s10, $0x3F80;
	s31 =	ssub.s32 s22, s24;
	s22 =	smov.u32 s10  }
0x15: {  	v61 =	vld [tilespmem:s17+$0x10];
	[tilespmem:s19+$0x3870 ss:$0x81] =	vst.msk $0xffff, v0;
	s25 =	smulhi.u32 $0x418938, s21;
	s24 =	sand.u32 s26, s10;
	s22 =	simm.s32 @!p1 $0x3F80  }
0x16: {  	v62 =	vld [tilespmem:s17+$0x20];
	s20 =	sor.u32 s29, s20;
	[tilespmem:s19+$0x810 ss:$0x81] =	vst.msk $0xffff, v5;
	s27 =	sadd.s32 $0xFFFFFC98, s31;
	s22 =	ssub.s32 s22, s24  }
0x17: {  	v63 =	vld [tilespmem:s17+$0xFFFFFFC0];
	[tilespmem:s19+$0x1020 ss:$0x81] =	vst.msk $0xffff, v58;
	s18 =	ssub.s32 $0x3E8, s31;
	s28 =	smul.u32 $0x3E8, s25;
	s29 =	sadd.s32 $0xFFFFC080, s22  }
0x18: {  	[tilespmem:s19+$0x1830 ss:$0x81] =	vst.msk $0xffff, v59;
	p1 =	sgt.s32 s27, $0x7F;
	s22 =	ssub.s32 $0x4000, s22;
	p2 =	sgt.s32 s29, $0x7F  }
0x19: {  	s30 =	sand.u32 $0x7, s10;
	[tilespmem:s19+$0x2040 ss:$0x81] =	vst.msk $0xffff, v60;
	s18 =	simm.s32 @p1 $0x0;
	s22 =	simm.s32 @p2 $0x0  }
0x1a: {  	s20 =	sshrl.u32 s20, $0x3;
	[tilespmem:s19+$0x2850 ss:$0x81] =	vst.msk $0xffff, v61;
	s17 =	ssub.s32 s21, s28;
	s18 =	smul.u32 s22, s18  }
0x1b: {  	[tilespmem:s19+$0x3060 ss:$0x81] =	vst.msk $0xffff, v62;
	s20 =	sadd.s32 s3, s20;
	s21 =	sshll.u32 s30, $0x12;
	s17 =	sshll.u32 s17, $0xB  }
0x1c: {  	[tilespmem:s19+$0x0 ss:$0x81] =	vst.msk $0xffff, v63;
	s31 =	sor.u32 $0x400, s21;
	s17 =	sadd.s32 s17, s20;
	s18 =	sand.u32 $0x3FFFFFFF, s18  }
0x1d: {  	[hbm4b:s17+s31] =	stream.strided.scatter [tilespmem:s16], [sflag:$0x2], s18, s8, s31, $0x20;
	[tilespmem:$0x10100] =	vst v63  }
.LBB1_5:
0x1e: {  	p1 =	slt.u32 s13, $0x2  }
0x1f: {  	s17 =	smov.u32 s15;
	p2 =	sgt.s32 @!p1 s15, $0x368;
	s16 =	sshra.s32 @!p1 s15, $0x1F  }
0x20: {  	p3 =	sgt.s32 @!p1 s14, $0x3F80;
	s18 =	sshra.s32 @!p1 s14, $0x1F;
	p2 =	por !p2, p1  }
0x21: {  	s15 =	sand.u32 @!p1 s16, s15;
	p3 =	por !p3, p1;
	s16 =	smov.u32 s14  }
0x22: {  	s14 =	sand.u32 @!p1 s18, s14;
	s17 =	simm.s32 @p2 $0x368;
	s16 =	simm.s32 @p3 $0x3F80  }
0x23: {  	s15 =	ssub.s32 @!p1 s17, s15;
	s14 =	ssub.s32 @!p1 s16, s14  }
0x24: {  	s18 =	smov.u32 s12;
	s16 =	sadd.s32 @!p1 $0xFFFFFC98, s15;
	s17 =	sadd.s32 @!p1 $0xFFFFC080, s14  }
0x25: {  	s15 =	ssub.s32 @!p1 $0x3E8, s15;
	p2 =	sgt.s32 @!p1 s16, $0x7F;
	p3 =	sgt.s32 @!p1 s17, $0x7F  }
0x26: {  	s14 =	ssub.s32 @!p1 $0x4000, s14;
	p2 =	por !p2, p1;
	p3 =	por !p3, p1  }
0x27: {  	s16 =	sadd.s32 $0x80, s11;
	s15 =	simm.s32 @!p2 $0x0;
	s14 =	simm.s32 @!p3 $0x0  }
0x28: {  	p2 =	sgt.s32 s16, $0x3E7;
	s14 =	smul.u32 @!p1 s14, s15;
	s15 =	sadd.s32 $0x1000, s12  }
0x29: {  	s18 =	smov.u32 @p2 s15  }
0x2a: {  	s16 =	simm.s32 @p2 $0x0;
	p2 =	sgt.s32 s18, $0x3FFF  }
0x2b: {  	s18 =	smov.u32 @p2 s2;
	p2 =	sne.s32 s13, s7  }
.Ltmp1:
0x2c: {  	p0 =	por !p0, !p0;
	s17 =	simm.s32 @!p1 $0x2;
	(pc) =	sbr.rel @!p2 .LBB1_6-.Ltmp1, $4  }
0x2d: {  	s15 =	smov.u32 s9;
	s9 =	smov.u32 s11;
	s14 =	sand.u32 @!p1 $0x3FFFFFFF, s14  }
0x2e: {  	s11 =	smov.u32 s16;
	_ =	swait.ge @!p1 [sflag:s17], s14;
	s19 =	ssub.s32 @!p1 $0x0, s14  }
0x2f: {  	s14 =	smov.u32 s10;
	s13 =	sadd.s32 $0x1, s13;
	[sflag:s17] =	ssyncset.done @!p1 $0x0  }
0x30: {  	s10 =	smov.u32 s12;
	s12 =	smov.u32 s18;
	[sflag:s17] =	ssyncadd.s32 @!p1 s19  }
.LBB1_1:
0x31: {  	p1 =	sge.u32 s13, s6  }
0x32: {  	s31 =	sadd.s32 $0xFFFFFFFF, s13;
	s16 =	sshll.u32 @!p1 s12, $0xA  }
0x33: {  	s17 =	sshll.u32 @!p1 s11, $0x3;
	s18 =	sshll.u32 @!p1 s12, $0x7;
	s16 =	sand.u32 @!p1 $0xFFE000, s16  }
0x34: {  	s19 =	sand.u32 @!p1 $0x78, s11;
	s16 =	sadd.s32 @!p1 s16, s17;
	s17 =	sand.u32 @!p1 $0x380, s18  }
0x35: {  	s18 =	sxor.u32 @!p1 $0xFFFFFFFF, s13;
	s16 =	sand.u32 @!p1 $0xFFFC00, s16;
	s17 =	sor.u32 @!p1 s17, s19  }
0x36: {  	s18 =	sshll.u32 @!p1 s18, $0xE;
	s16 =	sor.u32 @!p1 s16, s17;
	s17 =	sand.u32 @!p1 $0x7, s11  }
0x37: {  	s19 =	simm.s32 @!p1 $0x2000;
	s16 =	sshrl.u32 @!p1 s16, $0x3;
	s17 =	sshll.u32 @!p1 s17, $0x12  }
0x38: {  	s18 =	sand.u32 @!p1 $0x4000, s18;
	s16 =	sadd.s32 @!p1 s5, s16;
	s17 =	sor.u32 @!p1 $0x400, s17  }
0x39: {  	[tilespmem:s18], [sflag:$0x1] =	stream.strided.gather @!p1 [hbm4b:s16+s17], $0x4000, s19, s17, $0x38;
	[tilespmem:$0x10100] =	vst v63  }
0x3a: {  	p1 =	sge.u32 s31, s6  }
.Ltmp2:
0x3b: {  	_ = 	snop;
	(pc) =	sbr.rel @p1 .LBB1_5-.Ltmp2, $1  }
0x3c: {  	_ =	sdelay $0x3  }
0x3d: {  	s16 =	simm.s32 $0x1  }
0x3e: {  	_ =	swait.ge [sflag:s4], $0x4000;
	s16 =	simm.s32 @!p0 $0x0  }
0x3f: {  	[sflag:s4] =	ssyncset.done $0x0;
	s17 =	sshll.u32 s16, $0xE  }
0x40: {  	[sflag:s4] =	ssyncadd.s32 $0xFFFFC000;
	s17 =	sor.u32 $0x40, s17  }
0x41: {  	s16 =	smul.u32 $0x10200, s16;
	v0 =	vld [tilespmem:s17+$0x30]  }
0x42: {  	v1 =	vld [tilespmem:s17+$0xFFFFFFD0]  }
0x43: {  	s16 =	sshrl.u32 s16, $0x2;
	v5 =	vld [tilespmem:s17+$0xFFFFFFE0]  }
0x44: {  	v6 =	vld [tilespmem:s17+$0xFFFFFFF0];
	s19 =	sor.u32 $0x8000, s16  }
0x45: {  	s31 =	sand.u32 $0x1, s13;
	v4 =	vld [tilespmem:s17+$0x0];
	s18 =	sadd.s32 $0x0, s19  }
0x46: {  	v3 =	vld [tilespmem:s17+$0x10];
	s16 =	smul.u32 $0x10200, s31;
	[tilespmem:s18+$0x3870 ss:$0x81] =	vst.msk $0xffff, v0  }
0x47: {  	v2 =	vld [tilespmem:s17+$0x20];
	[tilespmem:s18+$0x810 ss:$0x81] =	vst.msk $0xffff, v1  }
0x48: {  	s16 =	sshrl.u32 s16, $0x2;
	v1 =	vld [tilespmem:s17+$0xFFFFFFC0];
	[tilespmem:s18+$0x1020 ss:$0x81] =	vst.msk $0xffff, v5;
	s17 =	sadd.s32 $0x80, s17  }
0x49: {  	s20 =	simm.s32 $0x4;
	s21 =	simm.s32 $0x8;
	s16 =	sor.u32 $0x8000, s16;
	[tilespmem:s18+$0x1830 ss:$0x81] =	vst.msk $0xffff, v6;
	v0 =	vld [tilespmem:s17+$0x30]  }
.LBB1_3:
0x4a: {  	p1 =	sne.s32 s21, $0x1FC;
	v5 =	vld [tilespmem:s17+$0xFFFFFFD0];
	[tilespmem:s18+$0x2040 ss:$0x81] =	vst.msk $0xffff, v4  }
0x4b: {  	v6 =	vld [tilespmem:s17+$0xFFFFFFE0];
	[tilespmem:s18+$0x2850 ss:$0x81] =	vst.msk $0xffff, v3  }
0x4c: {  	s22 =	sshra.s32 s20, $0x2;
	s20 =	smov.u32 s21;
	v7 =	vld [tilespmem:s17+$0xFFFFFFF0];
	[tilespmem:s18+$0x3060 ss:$0x81] =	vst.msk $0xffff, v2  }
.Ltmp3:
0x4d: {  	v4 =	vld [tilespmem:s17+$0x0];
	[tilespmem:s18+$0x0 ss:$0x81] =	vst.msk $0xffff, v1;
	s18 =	sadd.s32 s22, s19;
	(pc) =	sbr.rel @p1 .LBB1_3-.Ltmp3, $4  }
0x4e: {  	v3 =	vld [tilespmem:s17+$0x10];
	[tilespmem:s18+$0x3870 ss:$0x81] =	vst.msk $0xffff, v0  }
0x4f: {  	[tilespmem:s18+$0x810 ss:$0x81] =	vst.msk $0xffff, v5;
	v2 =	vld [tilespmem:s17+$0x20]  }
0x50: {  	v1 =	vld [tilespmem:s17+$0xFFFFFFC0];
	[tilespmem:s18+$0x1020 ss:$0x81] =	vst.msk $0xffff, v6;
	s17 =	sadd.s32 $0x80, s17  }
0x51: {  	s21 =	sadd.s32 $0x4, s21;
	v0 =	vld [tilespmem:s17+$0x30];
	[tilespmem:s18+$0x1830 ss:$0x81] =	vst.msk $0xffff, v7  }
.Ltmp4:
0x52: {  	_ = 	snop;
	(pc) =	sbr.rel .LBB1_4-.Ltmp4, $1  }
0x53: {  	_ =	sdelay $0x3  }
.LBB1_6:
0x54: {  	_ =	sfence.sel $0x180000  }
0x55: {  	s2 =	simm.s32 $0x1;
	[bflag:$0x0] =	sbarrier.arrive $0xFFFF  }
0x56: {  	s31 =	simm.s32 $0x2;
	[sflag:s2] =	ssyncpa.u1 $0x1  }
0x57: {  	[sflag:s31] =	ssyncpa.u1 $0x1  }
0x58: {  	p0 =	sne.s32 s0, $0x0;
	_ =	strace $0x9000004A  }
0x59: {  	s0 =	sadd.s32 @!p0 $0x100000, s1;
	[bflag:$0x2] =	sbarrier.arrive $0xFFFF  }
0x5a: {  	[sflag:s0] =	ssyncadd.tile.s32 @!p0 $0x1;
	_ =	shalt  }
.Lfunc_end1:
_tile_overlayer_lowered:
.L_overlay_start_2:
0x5b: {  	(tag) =	ssettag $0x2  }
0x5c: {  	s0 =	rddreg [dreg:$0x0];
	s2 =	stileid.u32  }
0x5d: {  	s1 =	rddreg [dreg:$0x1];
	p0 =	sne.s32 s2, $0x0  }
0x5e: {  	s3 =	rddreg [dreg:$0x2];
	[bflag:$0x3] =	sbarrier.arrive $0xFFFF;
	s2 =	simm.s32 @!p0 $0x1C01  }
0x5f: {  	[timem:s3], [sflag:s2] =	dma.local @!p0 [hbm:s0], s1  }
0x60: {  	s0 =	simm.s32 @!p0 $0x1  }
0x61: {  	_ =	swait.ge @!p0 [sflag:s0], s1  }
0x62: {  	s1 =	ssub.s32 @!p0 $0x0, s1;
	[sflag:s0] =	ssyncset.done @!p0 $0x0  }
0x63: {  	[sflag:s0] =	ssyncadd.s32 @!p0 s1  }
0x64: {  	[bflag:$0x3] =	sbarrier.arrive $0xFFFF  }
0x65: {  	_ =	shalt  }

</sc_bundles>
